<compile_context>
chip_gen: v7x
topology: tpu7x:2x2x1
jax: 0.10.2.dev20260603
libtpu: 0.0.44.dev20260713+nightly
codegen_flags: <defaults>
</compile_context>

<pallas_src>
import functools

import jax
import jax.numpy as jnp
import numpy as np
from jax import lax
from jax.experimental import pallas as pl
from jax.experimental.pallas import tpu as pltpu
from jax.experimental.pallas import tpu_sc as plsc

_DIM = 256
_NNZ = _DIM * (_DIM + 1) // 2
_BATCH = 1024
_NTILES = 32
_PER_W = _BATCH // _NTILES
_HALF = _DIM // 2
_CNT_A = sum(_DIM - i for i in range(_HALF))
_CNT_B = _NNZ - _CNT_A
_WORDS_A = _HALF * _DIM
_WORDS_B = _HALF * _HALF


def _flat_triu_idx() -> np.ndarray:
    i, j = np.triu_indices(_DIM)
    a = i < _HALF
    off_a = (
        ((i[a] >> 3) * 2 + (j[a] >> 7)) * 1024
        + (i[a] & 7) * 128
        + (j[a] & 127)
    )
    li, lj = i[~a] - _HALF, j[~a] - _HALF
    off_b = (li >> 3) * 1024 + (li & 7) * 128 + lj
    idx = np.concatenate([off_a, off_b]).astype(np.int32)
    pairs = idx.reshape(-1, 2, 16)
    return (pairs[:, 0, :] | (pairs[:, 1, :] << 16)).reshape(-1)


_IDX = _flat_triu_idx()


def _tri_body(
    x_hbm, idx_hbm, out_hbm,
    idx_v, buf_a, buf_b, out_v,
    sem_a, sem_b, sem_out, sem_out2,
):
    nc = 2
    wid = lax.axis_index("s") * nc + lax.axis_index("c")
    b0 = wid * _PER_W

    def stage_a(b):
        return pltpu.make_async_copy(
            x_hbm.at[b, pl.ds(0, _WORDS_A)], buf_a, sem_a
        )

    def stage_b_part(b, k):
        return pltpu.make_async_copy(
            x_hbm.at[b, pl.ds((16 + k) * 2048 + 1024, 1024)],
            buf_b.at[pl.ds(k * 1024, 1024)],
            sem_b,
        )

    def stage_b_start(b):
        for k in range(16):
            stage_b_part(b, k).start()

    def stage_b_wait(b):
        for k in range(16):
            stage_b_part(b, k).wait()

    def out_copy_a(b):
        return pltpu.make_async_copy(
            out_v.at[pl.ds(0, _CNT_A)],
            out_hbm.at[pl.ds(b * _NNZ, _CNT_A)],
            sem_out,
        )

    def out_copy_b(b):
        return pltpu.make_async_copy(
            out_v.at[pl.ds(_CNT_A, _CNT_B)],
            out_hbm.at[pl.ds(b * _NNZ + _CNT_A, _CNT_B)],
            sem_out2,
        )

    def gather_span(buf, pair0, npairs):
        group = 2

        @plsc.parallel_loop(0, npairs // group, unroll=4)
        def _(cg):
            pbase = pair0 + cg * group
            ivs = [idx_v[pl.ds((pbase + u) * 16, 16)] for u in range(group)]
            los = [lax.bitwise_and(iv, 0xFFFF) for iv in ivs]
            his = [lax.shift_right_logical(iv, 16) for iv in ivs]
            gs = []
            for u in range(group):
                gs.append(plsc.load_gather(buf, [los[u]]))
                gs.append(plsc.load_gather(buf, [his[u]]))
            for u in range(group):
                obase = (pbase + u) * 32
                out_v[pl.ds(obase, 16)] = gs[2 * u]
                out_v[pl.ds(obase + 16, 16)] = gs[2 * u + 1]

    stage_a(b0).start()
    stage_b_start(b0)
    pltpu.sync_copy(idx_hbm, idx_v)

    def batch_body(bl, carry):
        b = b0 + bl
        stage_a(b).wait()

        @pl.when(bl > 0)
        def _():
            out_copy_a(b - 1).wait()

        gather_span(buf_a, 0, _CNT_A // 32)

        @pl.when(bl < _PER_W - 1)
        def _():
            stage_a(b + 1).start()

        out_copy_a(b).start()
        stage_b_wait(b)

        @pl.when(bl > 0)
        def _():
            out_copy_b(b - 1).wait()

        gather_span(buf_b, _CNT_A // 32, _CNT_B // 32)

        @pl.when(bl < _PER_W - 1)
        def _():
            stage_b_start(b + 1)

        out_copy_b(b).start()
        return carry

    lax.fori_loop(0, _PER_W, batch_body, 0)
    out_copy_a(b0 + _PER_W - 1).wait()
    out_copy_b(b0 + _PER_W - 1).wait()


@jax.jit
def _tritovec(x, idx):
    mesh = plsc.VectorSubcoreMesh(core_axis_name="c", subcore_axis_name="s")
    fn = functools.partial(
        pl.kernel,
        mesh=mesh,
        out_type=jax.ShapeDtypeStruct((_BATCH * _NNZ,), jnp.float32),
        scratch_types=[
            pltpu.VMEM((_NNZ // 2,), jnp.int32),
            pltpu.VMEM((_WORDS_A,), jnp.float32),
            pltpu.VMEM((_WORDS_B,), jnp.float32),
            pltpu.VMEM((_NNZ,), jnp.float32),
            pltpu.SemaphoreType.DMA,
            pltpu.SemaphoreType.DMA,
            pltpu.SemaphoreType.DMA,
            pltpu.SemaphoreType.DMA,
        ],
        compiler_params=pltpu.CompilerParams(
            use_tc_tiling_on_sc=False, needs_layout_passes=False
        ),
    )(_tri_body)
    return fn(x, idx)


def kernel(input):
    idx = jnp.asarray(_IDX)
    x5 = input.reshape(_BATCH, 32, 8, 2, 128).transpose(0, 1, 3, 2, 4)
    x2 = x5.reshape(_BATCH, 65536)
    return _tritovec(x2, idx).reshape(_BATCH, _NNZ, 1)

# --- scband reference (transcript-rebuilt; emitter-appended) ---
"""Pipeline reference for scband-tritovec-26663156974164 (READ-ONLY COPY).

The authoritative reference and input builder live on the scoring server;
editing this copy changes nothing except your own understanding.
"""

import jax, jax.numpy as jnp
import numpy as np


def setup_inputs(seed: int = 0) -> dict:
    key = jax.random.key(seed)
    x = jax.random.normal(key, (1024, 256, 256), dtype=jnp.float32)
    return {"input": x}


def reference(input):
    # Faithful translation of tritovec.forward:
    # reshape upper triangular of each [dim, dim] matrix into a vector.
    x = input
    batchSize = x.shape[0]
    dim = x.shape[1]
    x = x.reshape(batchSize, dim * dim)
    # torch: I = torch.ones(dim, dim).triu().reshape(dim*dim); index = I.nonzero()
    # index has shape [nnz, 1] in torch, replicate that exactly (static, so use numpy)
    I = np.triu(np.ones((dim, dim), dtype=np.float32)).reshape(dim * dim)
    index = np.nonzero(I)[0][:, None]  # [nnz, 1], matches torch nonzero on 1-D
    index = jnp.asarray(index)
    # torch: y = x[:, index] -> shape [batchSize, nnz, 1]
    y = jnp.take(x, index, axis=1)
    return y

if __name__ == "__main__":
    import jax
    _d = setup_inputs()
    print(jax.jit(kernel)(*tuple(_d.values())))

</pallas_src>

<mosaic_0001>
#map = affine_map<(d0, d1) -> (0, 0)>
#map1 = affine_map<(d0, d1) -> (0)>
module attributes {stable_mosaic.version = 14 : i64} {
  func.func @_tri_body(%arg0: i32, %arg1: i32, %arg2: memref<1024x65536xf32, #tpu.memory_space<hbm>>, %arg3: memref<16448xi32, #tpu.memory_space<hbm>>, %arg4: memref<33685504xf32, #tpu.memory_space<hbm>>, %arg5: memref<16448xi32, #tpu.memory_space<vmem>>, %arg6: memref<32768xf32, #tpu.memory_space<vmem>>, %arg7: memref<16384xf32, #tpu.memory_space<vmem>>, %arg8: memref<32896xf32, #tpu.memory_space<vmem>>, %arg9: memref<!tpu.dma_semaphore, #tpu.memory_space<semaphore_mem>>, %arg10: memref<!tpu.dma_semaphore, #tpu.memory_space<semaphore_mem>>, %arg11: memref<!tpu.dma_semaphore, #tpu.memory_space<semaphore_mem>>, %arg12: memref<!tpu.dma_semaphore, #tpu.memory_space<semaphore_mem>>) attributes {dimension_semantics = [#tpu.dimension_semantics<core_parallel>, #tpu.dimension_semantics<subcore_parallel>], iteration_bounds = array<i64: 2, 16>, scalar_prefetch = 0 : i64, scratch_operands = 8 : i64, tpu.core_type = #tpu.core_type<sc_vector_subcore>, window_params = [{transform_indices = #map}, {transform_indices = #map1}, {transform_indices = #map1}]} {
    %mul3A = arith.constant 2 : i32
    %mul3A_0 = arith.muli %arg1, %mul3A : i32
    %add3A = arith.addi %mul3A_0, %arg0 : i32
    %mul3A_1 = arith.constant 32 : i32
    %mul3A_2 = arith.muli %add3A, %mul3A_1 : i32
    %dma_start3A = arith.constant 0 : i32
    %dma_start3A_3 = tpu.memref_slice %arg2[%mul3A_2, %dma_start3A] : memref<1024x65536xf32, #tpu.memory_space<hbm>> -> memref<1x32768xf32, #tpu.memory_space<hbm>>
    %dma_start3A_4 = tpu.memref_squeeze %dma_start3A_3 : memref<1x32768xf32, #tpu.memory_space<hbm>> -> memref<32768xf32, #tpu.memory_space<hbm>>
    %dma_start3A_5 = arith.constant 0 : i32
    %dma_start3A_6 = tpu.memref_slice %arg2[%mul3A_2, %dma_start3A_5] : memref<1024x65536xf32, #tpu.memory_space<hbm>> -> memref<1x32768xf32, #tpu.memory_space<hbm>>
    %dma_start3A_7 = tpu.memref_squeeze %dma_start3A_6 : memref<1x32768xf32, #tpu.memory_space<hbm>> -> memref<32768xf32, #tpu.memory_space<hbm>>
    tpu.enqueue_dma source(%dma_start3A_7 : memref<32768xf32, #tpu.memory_space<hbm>>) target(%arg6 : memref<32768xf32, #tpu.memory_space<vmem>>) target_semaphore(%arg9 : memref<!tpu.dma_semaphore, #tpu.memory_space<semaphore_mem>>)
    %dma_start3A_8 = arith.constant 0 : i32
    %dma_start3A_9 = tpu.memref_slice %arg7[%dma_start3A_8] : memref<16384xf32, #tpu.memory_space<vmem>> -> memref<1024xf32, #tpu.memory_space<vmem>>
    %dma_start3A_10 = arith.constant 33792 : i32
    %dma_start3A_11 = tpu.memref_slice %arg2[%mul3A_2, %dma_start3A_10] : memref<1024x65536xf32, #tpu.memory_space<hbm>> -> memref<1x1024xf32, #tpu.memory_space<hbm>>
    %dma_start3A_12 = tpu.memref_squeeze %dma_start3A_11 : memref<1x1024xf32, #tpu.memory_space<hbm>> -> memref<1024xf32, #tpu.memory_space<hbm>>
    %dma_start3A_13 = arith.constant 0 : i32
    %dma_start3A_14 = tpu.memref_slice %arg7[%dma_start3A_13] : memref<16384xf32, #tpu.memory_space<vmem>> -> memref<1024xf32, #tpu.memory_space<vmem>>
    %dma_start3A_15 = arith.constant 33792 : i32
    %dma_start3A_16 = tpu.memref_slice %arg2[%mul3A_2, %dma_start3A_15] : memref<1024x65536xf32, #tpu.memory_space<hbm>> -> memref<1x1024xf32, #tpu.memory_space<hbm>>
    %dma_start3A_17 = tpu.memref_squeeze %dma_start3A_16 : memref<1x1024xf32, #tpu.memory_space<hbm>> -> memref<1024xf32, #tpu.memory_space<hbm>>
    tpu.enqueue_dma source(%dma_start3A_17 : memref<1024xf32, #tpu.memory_space<hbm>>) target(%dma_start3A_14 : memref<1024xf32, #tpu.memory_space<vmem>>) target_semaphore(%arg10 : memref<!tpu.dma_semaphore, #tpu.memory_space<semaphore_mem>>)
    %dma_start3A_18 = arith.constant 1024 : i32
    %dma_start3A_19 = tpu.memref_slice %arg7[%dma_start3A_18] : memref<16384xf32, #tpu.memory_space<vmem>> -> memref<1024xf32, #tpu.memory_space<vmem>>
    %dma_start3A_20 = arith.constant 35840 : i32
    %dma_start3A_21 = tpu.memref_slice %arg2[%mul3A_2, %dma_start3A_20] : memref<1024x65536xf32, #tpu.memory_space<hbm>> -> memref<1x1024xf32, #tpu.memory_space<hbm>>
    %dma_start3A_22 = tpu.memref_squeeze %dma_start3A_21 : memref<1x1024xf32, #tpu.memory_space<hbm>> -> memref<1024xf32, #tpu.memory_space<hbm>>
    %dma_start3A_23 = arith.constant 1024 : i32
    %dma_start3A_24 = tpu.memref_slice %arg7[%dma_start3A_23] : memref<16384xf32, #tpu.memory_space<vmem>> -> memref<1024xf32, #tpu.memory_space<vmem>>
    %dma_start3A_25 = arith.constant 35840 : i32
    %dma_start3A_26 = tpu.memref_slice %arg2[%mul3A_2, %dma_start3A_25] : memref<1024x65536xf32, #tpu.memory_space<hbm>> -> memref<1x1024xf32, #tpu.memory_space<hbm>>
    %dma_start3A_27 = tpu.memref_squeeze %dma_start3A_26 : memref<1x1024xf32, #tpu.memory_space<hbm>> -> memref<1024xf32, #tpu.memory_space<hbm>>
    tpu.enqueue_dma source(%dma_start3A_27 : memref<1024xf32, #tpu.memory_space<hbm>>) target(%dma_start3A_24 : memref<1024xf32, #tpu.memory_space<vmem>>) target_semaphore(%arg10 : memref<!tpu.dma_semaphore, #tpu.memory_space<semaphore_mem>>)
    %dma_start3A_28 = arith.constant 2048 : i32
    %dma_start3A_29 = tpu.memref_slice %arg7[%dma_start3A_28] : memref<16384xf32, #tpu.memory_space<vmem>> -> memref<1024xf32, #tpu.memory_space<vmem>>
    %dma_start3A_30 = arith.constant 37888 : i32
    %dma_start3A_31 = tpu.memref_slice %arg2[%mul3A_2, %dma_start3A_30] : memref<1024x65536xf32, #tpu.memory_space<hbm>> -> memref<1x1024xf32, #tpu.memory_space<hbm>>
    %dma_start3A_32 = tpu.memref_squeeze %dma_start3A_31 : memref<1x1024xf32, #tpu.memory_space<hbm>> -> memref<1024xf32, #tpu.memory_space<hbm>>
    %dma_start3A_33 = arith.constant 2048 : i32
    %dma_start3A_34 = tpu.memref_slice %arg7[%dma_start3A_33] : memref<16384xf32, #tpu.memory_space<vmem>> -> memref<1024xf32, #tpu.memory_space<vmem>>
    %dma_start3A_35 = arith.constant 37888 : i32
    %dma_start3A_36 = tpu.memref_slice %arg2[%mul3A_2, %dma_start3A_35] : memref<1024x65536xf32, #tpu.memory_space<hbm>> -> memref<1x1024xf32, #tpu.memory_space<hbm>>
    %dma_start3A_37 = tpu.memref_squeeze %dma_start3A_36 : memref<1x1024xf32, #tpu.memory_space<hbm>> -> memref<1024xf32, #tpu.memory_space<hbm>>
    tpu.enqueue_dma source(%dma_start3A_37 : memref<1024xf32, #tpu.memory_space<hbm>>) target(%dma_start3A_34 : memref<1024xf32, #tpu.memory_space<vmem>>) target_semaphore(%arg10 : memref<!tpu.dma_semaphore, #tpu.memory_space<semaphore_mem>>)
    %dma_start3A_38 = arith.constant 3072 : i32
    %dma_start3A_39 = tpu.memref_slice %arg7[%dma_start3A_38] : memref<16384xf32, #tpu.memory_space<vmem>> -> memref<1024xf32, #tpu.memory_space<vmem>>
    %dma_start3A_40 = arith.constant 39936 : i32
    %dma_start3A_41 = tpu.memref_slice %arg2[%mul3A_2, %dma_start3A_40] : memref<1024x65536xf32, #tpu.memory_space<hbm>> -> memref<1x1024xf32, #tpu.memory_space<hbm>>
    %dma_start3A_42 = tpu.memref_squeeze %dma_start3A_41 : memref<1x1024xf32, #tpu.memory_space<hbm>> -> memref<1024xf32, #tpu.memory_space<hbm>>
    %dma_start3A_43 = arith.constant 3072 : i32
    %dma_start3A_44 = tpu.memref_slice %arg7[%dma_start3A_43] : memref<16384xf32, #tpu.memory_space<vmem>> -> memref<1024xf32, #tpu.memory_space<vmem>>
    %dma_start3A_45 = arith.constant 39936 : i32
    %dma_start3A_46 = tpu.memref_slice %arg2[%mul3A_2, %dma_start3A_45] : memref<1024x65536xf32, #tpu.memory_space<hbm>> -> memref<1x1024xf32, #tpu.memory_space<hbm>>
    %dma_start3A_47 = tpu.memref_squeeze %dma_start3A_46 : memref<1x1024xf32, #tpu.memory_space<hbm>> -> memref<1024xf32, #tpu.memory_space<hbm>>
    tpu.enqueue_dma source(%dma_start3A_47 : memref<1024xf32, #tpu.memory_space<hbm>>) target(%dma_start3A_44 : memref<1024xf32, #tpu.memory_space<vmem>>) target_semaphore(%arg10 : memref<!tpu.dma_semaphore, #tpu.memory_space<semaphore_mem>>)
    %dma_start3A_48 = arith.constant 4096 : i32
    %dma_start3A_49 = tpu.memref_slice %arg7[%dma_start3A_48] : memref<16384xf32, #tpu.memory_space<vmem>> -> memref<1024xf32, #tpu.memory_space<vmem>>
    %dma_start3A_50 = arith.constant 41984 : i32
    %dma_start3A_51 = tpu.memref_slice %arg2[%mul3A_2, %dma_start3A_50] : memref<1024x65536xf32, #tpu.memory_space<hbm>> -> memref<1x1024xf32, #tpu.memory_space<hbm>>
    %dma_start3A_52 = tpu.memref_squeeze %dma_start3A_51 : memref<1x1024xf32, #tpu.memory_space<hbm>> -> memref<1024xf32, #tpu.memory_space<hbm>>
    %dma_start3A_53 = arith.constant 4096 : i32
    %dma_start3A_54 = tpu.memref_slice %arg7[%dma_start3A_53] : memref<16384xf32, #tpu.memory_space<vmem>> -> memref<1024xf32, #tpu.memory_space<vmem>>
    %dma_start3A_55 = arith.constant 41984 : i32
    %dma_start3A_56 = tpu.memref_slice %arg2[%mul3A_2, %dma_start3A_55] : memref<1024x65536xf32, #tpu.memory_space<hbm>> -> memref<1x1024xf32, #tpu.memory_space<hbm>>
    %dma_start3A_57 = tpu.memref_squeeze %dma_start3A_56 : memref<1x1024xf32, #tpu.memory_space<hbm>> -> memref<1024xf32, #tpu.memory_space<hbm>>
    tpu.enqueue_dma source(%dma_start3A_57 : memref<1024xf32, #tpu.memory_space<hbm>>) target(%dma_start3A_54 : memref<1024xf32, #tpu.memory_space<vmem>>) target_semaphore(%arg10 : memref<!tpu.dma_semaphore, #tpu.memory_space<semaphore_mem>>)
    %dma_start3A_58 = arith.constant 5120 : i32
    %dma_start3A_59 = tpu.memref_slice %arg7[%dma_start3A_58] : memref<16384xf32, #tpu.memory_space<vmem>> -> memref<1024xf32, #tpu.memory_space<vmem>>
    %dma_start3A_60 = arith.constant 44032 : i32
    %dma_start3A_61 = tpu.memref_slice %arg2[%mul3A_2, %dma_start3A_60] : memref<1024x65536xf32, #tpu.memory_space<hbm>> -> memref<1x1024xf32, #tpu.memory_space<hbm>>
    %dma_start3A_62 = tpu.memref_squeeze %dma_start3A_61 : memref<1x1024xf32, #tpu.memory_space<hbm>> -> memref<1024xf32, #tpu.memory_space<hbm>>
    %dma_start3A_63 = arith.constant 5120 : i32
    %dma_start3A_64 = tpu.memref_slice %arg7[%dma_start3A_63] : memref<16384xf32, #tpu.memory_space<vmem>> -> memref<1024xf32, #tpu.memory_space<vmem>>
    %dma_start3A_65 = arith.constant 44032 : i32
    %dma_start3A_66 = tpu.memref_slice %arg2[%mul3A_2, %dma_start3A_65] : memref<1024x65536xf32, #tpu.memory_space<hbm>> -> memref<1x1024xf32, #tpu.memory_space<hbm>>
    %dma_start3A_67 = tpu.memref_squeeze %dma_start3A_66 : memref<1x1024xf32, #tpu.memory_space<hbm>> -> memref<1024xf32, #tpu.memory_space<hbm>>
    tpu.enqueue_dma source(%dma_start3A_67 : memref<1024xf32, #tpu.memory_space<hbm>>) target(%dma_start3A_64 : memref<1024xf32, #tpu.memory_space<vmem>>) target_semaphore(%arg10 : memref<!tpu.dma_semaphore, #tpu.memory_space<semaphore_mem>>)
    %dma_start3A_68 = arith.constant 6144 : i32
    %dma_start3A_69 = tpu.memref_slice %arg7[%dma_start3A_68] : memref<16384xf32, #tpu.memory_space<vmem>> -> memref<1024xf32, #tpu.memory_space<vmem>>
    %dma_start3A_70 = arith.constant 46080 : i32
    %dma_start3A_71 = tpu.memref_slice %arg2[%mul3A_2, %dma_start3A_70] : memref<1024x65536xf32, #tpu.memory_space<hbm>> -> memref<1x1024xf32, #tpu.memory_space<hbm>>
    %dma_start3A_72 = tpu.memref_squeeze %dma_start3A_71 : memref<1x1024xf32, #tpu.memory_space<hbm>> -> memref<1024xf32, #tpu.memory_space<hbm>>
    %dma_start3A_73 = arith.constant 6144 : i32
    %dma_start3A_74 = tpu.memref_slice %arg7[%dma_start3A_73] : memref<16384xf32, #tpu.memory_space<vmem>> -> memref<1024xf32, #tpu.memory_space<vmem>>
    %dma_start3A_75 = arith.constant 46080 : i32
    %dma_start3A_76 = tpu.memref_slice %arg2[%mul3A_2, %dma_start3A_75] : memref<1024x65536xf32, #tpu.memory_space<hbm>> -> memref<1x1024xf32, #tpu.memory_space<hbm>>
    %dma_start3A_77 = tpu.memref_squeeze %dma_start3A_76 : memref<1x1024xf32, #tpu.memory_space<hbm>> -> memref<1024xf32, #tpu.memory_space<hbm>>
    tpu.enqueue_dma source(%dma_start3A_77 : memref<1024xf32, #tpu.memory_space<hbm>>) target(%dma_start3A_74 : memref<1024xf32, #tpu.memory_space<vmem>>) target_semaphore(%arg10 : memref<!tpu.dma_semaphore, #tpu.memory_space<semaphore_mem>>)
    %dma_start3A_78 = arith.constant 7168 : i32
    %dma_start3A_79 = tpu.memref_slice %arg7[%dma_start3A_78] : memref<16384xf32, #tpu.memory_space<vmem>> -> memref<1024xf32, #tpu.memory_space<vmem>>
    %dma_start3A_80 = arith.constant 48128 : i32
    %dma_start3A_81 = tpu.memref_slice %arg2[%mul3A_2, %dma_start3A_80] : memref<1024x65536xf32, #tpu.memory_space<hbm>> -> memref<1x1024xf32, #tpu.memory_space<hbm>>
    %dma_start3A_82 = tpu.memref_squeeze %dma_start3A_81 : memref<1x1024xf32, #tpu.memory_space<hbm>> -> memref<1024xf32, #tpu.memory_space<hbm>>
    %dma_start3A_83 = arith.constant 7168 : i32
    %dma_start3A_84 = tpu.memref_slice %arg7[%dma_start3A_83] : memref<16384xf32, #tpu.memory_space<vmem>> -> memref<1024xf32, #tpu.memory_space<vmem>>
    %dma_start3A_85 = arith.constant 48128 : i32
    %dma_start3A_86 = tpu.memref_slice %arg2[%mul3A_2, %dma_start3A_85] : memref<1024x65536xf32, #tpu.memory_space<hbm>> -> memref<1x1024xf32, #tpu.memory_space<hbm>>
    %dma_start3A_87 = tpu.memref_squeeze %dma_start3A_86 : memref<1x1024xf32, #tpu.memory_space<hbm>> -> memref<1024xf32, #tpu.memory_space<hbm>>
    tpu.enqueue_dma source(%dma_start3A_87 : memref<1024xf32, #tpu.memory_space<hbm>>) target(%dma_start3A_84 : memref<1024xf32, #tpu.memory_space<vmem>>) target_semaphore(%arg10 : memref<!tpu.dma_semaphore, #tpu.memory_space<semaphore_mem>>)
    %dma_start3A_88 = arith.constant 8192 : i32
    %dma_start3A_89 = tpu.memref_slice %arg7[%dma_start3A_88] : memref<16384xf32, #tpu.memory_space<vmem>> -> memref<1024xf32, #tpu.memory_space<vmem>>
    %dma_start3A_90 = arith.constant 50176 : i32
    %dma_start3A_91 = tpu.memref_slice %arg2[%mul3A_2, %dma_start3A_90] : memref<1024x65536xf32, #tpu.memory_space<hbm>> -> memref<1x1024xf32, #tpu.memory_space<hbm>>
    %dma_start3A_92 = tpu.memref_squeeze %dma_start3A_91 : memref<1x1024xf32, #tpu.memory_space<hbm>> -> memref<1024xf32, #tpu.memory_space<hbm>>
    %dma_start3A_93 = arith.constant 8192 : i32
    %dma_start3A_94 = tpu.memref_slice %arg7[%dma_start3A_93] : memref<16384xf32, #tpu.memory_space<vmem>> -> memref<1024xf32, #tpu.memory_space<vmem>>
    %dma_start3A_95 = arith.constant 50176 : i32
    %dma_start3A_96 = tpu.memref_slice %arg2[%mul3A_2, %dma_start3A_95] : memref<1024x65536xf32, #tpu.memory_space<hbm>> -> memref<1x1024xf32, #tpu.memory_space<hbm>>
    %dma_start3A_97 = tpu.memref_squeeze %dma_start3A_96 : memref<1x1024xf32, #tpu.memory_space<hbm>> -> memref<1024xf32, #tpu.memory_space<hbm>>
    tpu.enqueue_dma source(%dma_start3A_97 : memref<1024xf32, #tpu.memory_space<hbm>>) target(%dma_start3A_94 : memref<1024xf32, #tpu.memory_space<vmem>>) target_semaphore(%arg10 : memref<!tpu.dma_semaphore, #tpu.memory_space<semaphore_mem>>)
    %dma_start3A_98 = arith.constant 9216 : i32
    %dma_start3A_99 = tpu.memref_slice %arg7[%dma_start3A_98] : memref<16384xf32, #tpu.memory_space<vmem>> -> memref<1024xf32, #tpu.memory_space<vmem>>
    %dma_start3A_100 = arith.constant 52224 : i32
    %dma_start3A_101 = tpu.memref_slice %arg2[%mul3A_2, %dma_start3A_100] : memref<1024x65536xf32, #tpu.memory_space<hbm>> -> memref<1x1024xf32, #tpu.memory_space<hbm>>
    %dma_start3A_102 = tpu.memref_squeeze %dma_start3A_101 : memref<1x1024xf32, #tpu.memory_space<hbm>> -> memref<1024xf32, #tpu.memory_space<hbm>>
    %dma_start3A_103 = arith.constant 9216 : i32
    %dma_start3A_104 = tpu.memref_slice %arg7[%dma_start3A_103] : memref<16384xf32, #tpu.memory_space<vmem>> -> memref<1024xf32, #tpu.memory_space<vmem>>
    %dma_start3A_105 = arith.constant 52224 : i32
    %dma_start3A_106 = tpu.memref_slice %arg2[%mul3A_2, %dma_start3A_105] : memref<1024x65536xf32, #tpu.memory_space<hbm>> -> memref<1x1024xf32, #tpu.memory_space<hbm>>
    %dma_start3A_107 = tpu.memref_squeeze %dma_start3A_106 : memref<1x1024xf32, #tpu.memory_space<hbm>> -> memref<1024xf32, #tpu.memory_space<hbm>>
    tpu.enqueue_dma source(%dma_start3A_107 : memref<1024xf32, #tpu.memory_space<hbm>>) target(%dma_start3A_104 : memref<1024xf32, #tpu.memory_space<vmem>>) target_semaphore(%arg10 : memref<!tpu.dma_semaphore, #tpu.memory_space<semaphore_mem>>)
    %dma_start3A_108 = arith.constant 10240 : i32
    %dma_start3A_109 = tpu.memref_slice %arg7[%dma_start3A_108] : memref<16384xf32, #tpu.memory_space<vmem>> -> memref<1024xf32, #tpu.memory_space<vmem>>
    %dma_start3A_110 = arith.constant 54272 : i32
    %dma_start3A_111 = tpu.memref_slice %arg2[%mul3A_2, %dma_start3A_110] : memref<1024x65536xf32, #tpu.memory_space<hbm>> -> memref<1x1024xf32, #tpu.memory_space<hbm>>
    %dma_start3A_112 = tpu.memref_squeeze %dma_start3A_111 : memref<1x1024xf32, #tpu.memory_space<hbm>> -> memref<1024xf32, #tpu.memory_space<hbm>>
    %dma_start3A_113 = arith.constant 10240 : i32
    %dma_start3A_114 = tpu.memref_slice %arg7[%dma_start3A_113] : memref<16384xf32, #tpu.memory_space<vmem>> -> memref<1024xf32, #tpu.memory_space<vmem>>
    %dma_start3A_115 = arith.constant 54272 : i32
    %dma_start3A_116 = tpu.memref_slice %arg2[%mul3A_2, %dma_start3A_115] : memref<1024x65536xf32, #tpu.memory_space<hbm>> -> memref<1x1024xf32, #tpu.memory_space<hbm>>
    %dma_start3A_117 = tpu.memref_squeeze %dma_start3A_116 : memref<1x1024xf32, #tpu.memory_space<hbm>> -> memref<1024xf32, #tpu.memory_space<hbm>>
    tpu.enqueue_dma source(%dma_start3A_117 : memref<1024xf32, #tpu.memory_space<hbm>>) target(%dma_start3A_114 : memref<1024xf32, #tpu.memory_space<vmem>>) target_semaphore(%arg10 : memref<!tpu.dma_semaphore, #tpu.memory_space<semaphore_mem>>)
    %dma_start3A_118 = arith.constant 11264 : i32
    %dma_start3A_119 = tpu.memref_slice %arg7[%dma_start3A_118] : memref<16384xf32, #tpu.memory_space<vmem>> -> memref<1024xf32, #tpu.memory_space<vmem>>
    %dma_start3A_120 = arith.constant 56320 : i32
    %dma_start3A_121 = tpu.memref_slice %arg2[%mul3A_2, %dma_start3A_120] : memref<1024x65536xf32, #tpu.memory_space<hbm>> -> memref<1x1024xf32, #tpu.memory_space<hbm>>
    %dma_start3A_122 = tpu.memref_squeeze %dma_start3A_121 : memref<1x1024xf32, #tpu.memory_space<hbm>> -> memref<1024xf32, #tpu.memory_space<hbm>>
    %dma_start3A_123 = arith.constant 11264 : i32
    %dma_start3A_124 = tpu.memref_slice %arg7[%dma_start3A_123] : memref<16384xf32, #tpu.memory_space<vmem>> -> memref<1024xf32, #tpu.memory_space<vmem>>
    %dma_start3A_125 = arith.constant 56320 : i32
    %dma_start3A_126 = tpu.memref_slice %arg2[%mul3A_2, %dma_start3A_125] : memref<1024x65536xf32, #tpu.memory_space<hbm>> -> memref<1x1024xf32, #tpu.memory_space<hbm>>
    %dma_start3A_127 = tpu.memref_squeeze %dma_start3A_126 : memref<1x1024xf32, #tpu.memory_space<hbm>> -> memref<1024xf32, #tpu.memory_space<hbm>>
    tpu.enqueue_dma source(%dma_start3A_127 : memref<1024xf32, #tpu.memory_space<hbm>>) target(%dma_start3A_124 : memref<1024xf32, #tpu.memory_space<vmem>>) target_semaphore(%arg10 : memref<!tpu.dma_semaphore, #tpu.memory_space<semaphore_mem>>)
    %dma_start3A_128 = arith.constant 12288 : i32
    %dma_start3A_129 = tpu.memref_slice %arg7[%dma_start3A_128] : memref<16384xf32, #tpu.memory_space<vmem>> -> memref<1024xf32, #tpu.memory_space<vmem>>
    %dma_start3A_130 = arith.constant 58368 : i32
    %dma_start3A_131 = tpu.memref_slice %arg2[%mul3A_2, %dma_start3A_130] : memref<1024x65536xf32, #tpu.memory_space<hbm>> -> memref<1x1024xf32, #tpu.memory_space<hbm>>
    %dma_start3A_132 = tpu.memref_squeeze %dma_start3A_131 : memref<1x1024xf32, #tpu.memory_space<hbm>> -> memref<1024xf32, #tpu.memory_space<hbm>>
    %dma_start3A_133 = arith.constant 12288 : i32
    %dma_start3A_134 = tpu.memref_slice %arg7[%dma_start3A_133] : memref<16384xf32, #tpu.memory_space<vmem>> -> memref<1024xf32, #tpu.memory_space<vmem>>
    %dma_start3A_135 = arith.constant 58368 : i32
    %dma_start3A_136 = tpu.memref_slice %arg2[%mul3A_2, %dma_start3A_135] : memref<1024x65536xf32, #tpu.memory_space<hbm>> -> memref<1x1024xf32, #tpu.memory_space<hbm>>
    %dma_start3A_137 = tpu.memref_squeeze %dma_start3A_136 : memref<1x1024xf32, #tpu.memory_space<hbm>> -> memref<1024xf32, #tpu.memory_space<hbm>>
    tpu.enqueue_dma source(%dma_start3A_137 : memref<1024xf32, #tpu.memory_space<hbm>>) target(%dma_start3A_134 : memref<1024xf32, #tpu.memory_space<vmem>>) target_semaphore(%arg10 : memref<!tpu.dma_semaphore, #tpu.memory_space<semaphore_mem>>)
    %dma_start3A_138 = arith.constant 13312 : i32
    %dma_start3A_139 = tpu.memref_slice %arg7[%dma_start3A_138] : memref<16384xf32, #tpu.memory_space<vmem>> -> memref<1024xf32, #tpu.memory_space<vmem>>
    %dma_start3A_140 = arith.constant 60416 : i32
    %dma_start3A_141 = tpu.memref_slice %arg2[%mul3A_2, %dma_start3A_140] : memref<1024x65536xf32, #tpu.memory_space<hbm>> -> memref<1x1024xf32, #tpu.memory_space<hbm>>
    %dma_start3A_142 = tpu.memref_squeeze %dma_start3A_141 : memref<1x1024xf32, #tpu.memory_space<hbm>> -> memref<1024xf32, #tpu.memory_space<hbm>>
    %dma_start3A_143 = arith.constant 13312 : i32
    %dma_start3A_144 = tpu.memref_slice %arg7[%dma_start3A_143] : memref<16384xf32, #tpu.memory_space<vmem>> -> memref<1024xf32, #tpu.memory_space<vmem>>
    %dma_start3A_145 = arith.constant 60416 : i32
    %dma_start3A_146 = tpu.memref_slice %arg2[%mul3A_2, %dma_start3A_145] : memref<1024x65536xf32, #tpu.memory_space<hbm>> -> memref<1x1024xf32, #tpu.memory_space<hbm>>
    %dma_start3A_147 = tpu.memref_squeeze %dma_start3A_146 : memref<1x1024xf32, #tpu.memory_space<hbm>> -> memref<1024xf32, #tpu.memory_space<hbm>>
    tpu.enqueue_dma source(%dma_start3A_147 : memref<1024xf32, #tpu.memory_space<hbm>>) target(%dma_start3A_144 : memref<1024xf32, #tpu.memory_space<vmem>>) target_semaphore(%arg10 : memref<!tpu.dma_semaphore, #tpu.memory_space<semaphore_mem>>)
    %dma_start3A_148 = arith.constant 14336 : i32
    %dma_start3A_149 = tpu.memref_slice %arg7[%dma_start3A_148] : memref<16384xf32, #tpu.memory_space<vmem>> -> memref<1024xf32, #tpu.memory_space<vmem>>
    %dma_start3A_150 = arith.constant 62464 : i32
    %dma_start3A_151 = tpu.memref_slice %arg2[%mul3A_2, %dma_start3A_150] : memref<1024x65536xf32, #tpu.memory_space<hbm>> -> memref<1x1024xf32, #tpu.memory_space<hbm>>
    %dma_start3A_152 = tpu.memref_squeeze %dma_start3A_151 : memref<1x1024xf32, #tpu.memory_space<hbm>> -> memref<1024xf32, #tpu.memory_space<hbm>>
    %dma_start3A_153 = arith.constant 14336 : i32
    %dma_start3A_154 = tpu.memref_slice %arg7[%dma_start3A_153] : memref<16384xf32, #tpu.memory_space<vmem>> -> memref<1024xf32, #tpu.memory_space<vmem>>
    %dma_start3A_155 = arith.constant 62464 : i32
    %dma_start3A_156 = tpu.memref_slice %arg2[%mul3A_2, %dma_start3A_155] : memref<1024x65536xf32, #tpu.memory_space<hbm>> -> memref<1x1024xf32, #tpu.memory_space<hbm>>
    %dma_start3A_157 = tpu.memref_squeeze %dma_start3A_156 : memref<1x1024xf32, #tpu.memory_space<hbm>> -> memref<1024xf32, #tpu.memory_space<hbm>>
    tpu.enqueue_dma source(%dma_start3A_157 : memref<1024xf32, #tpu.memory_space<hbm>>) target(%dma_start3A_154 : memref<1024xf32, #tpu.memory_space<vmem>>) target_semaphore(%arg10 : memref<!tpu.dma_semaphore, #tpu.memory_space<semaphore_mem>>)
    %dma_start3A_158 = arith.constant 15360 : i32
    %dma_start3A_159 = tpu.memref_slice %arg7[%dma_start3A_158] : memref<16384xf32, #tpu.memory_space<vmem>> -> memref<1024xf32, #tpu.memory_space<vmem>>
    %dma_start3A_160 = arith.constant 64512 : i32
    %dma_start3A_161 = tpu.memref_slice %arg2[%mul3A_2, %dma_start3A_160] : memref<1024x65536xf32, #tpu.memory_space<hbm>> -> memref<1x1024xf32, #tpu.memory_space<hbm>>
    %dma_start3A_162 = tpu.memref_squeeze %dma_start3A_161 : memref<1x1024xf32, #tpu.memory_space<hbm>> -> memref<1024xf32, #tpu.memory_space<hbm>>
    %dma_start3A_163 = arith.constant 15360 : i32
    %dma_start3A_164 = tpu.memref_slice %arg7[%dma_start3A_163] : memref<16384xf32, #tpu.memory_space<vmem>> -> memref<1024xf32, #tpu.memory_space<vmem>>
    %dma_start3A_165 = arith.constant 64512 : i32
    %dma_start3A_166 = tpu.memref_slice %arg2[%mul3A_2, %dma_start3A_165] : memref<1024x65536xf32, #tpu.memory_space<hbm>> -> memref<1x1024xf32, #tpu.memory_space<hbm>>
    %dma_start3A_167 = tpu.memref_squeeze %dma_start3A_166 : memref<1x1024xf32, #tpu.memory_space<hbm>> -> memref<1024xf32, #tpu.memory_space<hbm>>
    tpu.enqueue_dma source(%dma_start3A_167 : memref<1024xf32, #tpu.memory_space<hbm>>) target(%dma_start3A_164 : memref<1024xf32, #tpu.memory_space<vmem>>) target_semaphore(%arg10 : memref<!tpu.dma_semaphore, #tpu.memory_space<semaphore_mem>>)
    "tpu.region"() ({
      %run_scoped3A = tpu.sem_alloc : memref<!tpu.dma_semaphore, #tpu.memory_space<semaphore_mem>>
      tpu.enqueue_dma source(%arg3 : memref<16448xi32, #tpu.memory_space<hbm>>) target(%arg5 : memref<16448xi32, #tpu.memory_space<vmem>>) target_semaphore(%run_scoped3A : memref<!tpu.dma_semaphore, #tpu.memory_space<semaphore_mem>>)
      tpu.wait_dma2 semaphore(%run_scoped3A : memref<!tpu.dma_semaphore, #tpu.memory_space<semaphore_mem>>) src(%arg3 : memref<16448xi32, #tpu.memory_space<hbm>>) dst(%arg5 : memref<16448xi32, #tpu.memory_space<vmem>>)
      tpu.yield
    }) : () -> ()
    %scan3A = arith.constant 0 : i32
    %scan3A_168 = arith.constant 0 : i32
    %scan3A_169 = arith.constant 32 : i32
    %scan3A_170 = arith.addi %scan3A_168, %scan3A_169 : i32
    %scan3A_171 = arith.constant 1 : i32
    scf.for %scan3A_197 = %scan3A_168 to %scan3A_170 step %scan3A_171  : i32 {
      %add3A_198 = arith.addi %mul3A_2, %scan3A_197 : i32
      %dma_wait3A_199 = arith.constant 0 : i32
      %dma_wait3A_200 = tpu.memref_slice %arg2[%add3A_198, %dma_wait3A_199] : memref<1024x65536xf32, #tpu.memory_space<hbm>> -> memref<1x32768xf32, #tpu.memory_space<hbm>>
      %dma_wait3A_201 = tpu.memref_squeeze %dma_wait3A_200 : memref<1x32768xf32, #tpu.memory_space<hbm>> -> memref<32768xf32, #tpu.memory_space<hbm>>
      %dma_wait3A_202 = arith.constant 0 : i32
      %dma_wait3A_203 = tpu.memref_slice %arg2[%add3A_198, %dma_wait3A_202] : memref<1024x65536xf32, #tpu.memory_space<hbm>> -> memref<1x32768xf32, #tpu.memory_space<hbm>>
      %dma_wait3A_204 = tpu.memref_squeeze %dma_wait3A_203 : memref<1x32768xf32, #tpu.memory_space<hbm>> -> memref<32768xf32, #tpu.memory_space<hbm>>
      tpu.wait_dma2 semaphore(%arg9 : memref<!tpu.dma_semaphore, #tpu.memory_space<semaphore_mem>>) src(%dma_wait3A_204 : memref<32768xf32, #tpu.memory_space<hbm>>) dst(%arg6 : memref<32768xf32, #tpu.memory_space<vmem>>)
      %gt3A = arith.constant 0 : i32
      %gt3A_205 = arith.cmpi sgt, %scan3A_197, %gt3A : i32
      %convert_element_type3A = arith.extui %gt3A_205 : i1 to i32
      %cond3A = arith.constant 0 : i32
      %cond3A_206 = arith.cmpi ne, %convert_element_type3A, %cond3A : i32
      scf.if %cond3A_206 {
        %sub3A_404 = arith.constant 1 : i32
        %sub3A_405 = arith.subi %add3A_198, %sub3A_404 : i32
        %mul3A_406 = arith.constant 32896 : i32
        %mul3A_407 = arith.muli %sub3A_405, %mul3A_406 : i32
        %dma_wait3A_408 = arith.constant 0 : i32
        %dma_wait3A_409 = tpu.memref_slice %arg8[%dma_wait3A_408] : memref<32896xf32, #tpu.memory_space<vmem>> -> memref<24640xf32, #tpu.memory_space<vmem>>
        %dma_wait3A_410 = tpu.memref_slice %arg4[%mul3A_407] : memref<33685504xf32, #tpu.memory_space<hbm>> -> memref<24640xf32, #tpu.memory_space<hbm>>
        %dma_wait3A_411 = tpu.memref_slice %arg4[%mul3A_407] : memref<33685504xf32, #tpu.memory_space<hbm>> -> memref<24640xf32, #tpu.memory_space<hbm>>
        %dma_wait3A_412 = arith.constant 0 : i32
        %dma_wait3A_413 = tpu.memref_slice %arg8[%dma_wait3A_412] : memref<32896xf32, #tpu.memory_space<vmem>> -> memref<24640xf32, #tpu.memory_space<vmem>>
        tpu.wait_dma2 semaphore(%arg11 : memref<!tpu.dma_semaphore, #tpu.memory_space<semaphore_mem>>) src(%dma_wait3A_413 : memref<24640xf32, #tpu.memory_space<vmem>>) dst(%dma_wait3A_411 : memref<24640xf32, #tpu.memory_space<hbm>>)
      } else {
      }
      %parallel_loop3A = arith.constant 0 : i32
      %parallel_loop3A_207 = arith.constant 385 : i32
      %parallel_loop3A_208 = arith.constant 1 : i32
      scf.for %parallel_loop3A_404 = %parallel_loop3A to %parallel_loop3A_207 step %parallel_loop3A_208  : i32 {
        %parallel_loop3A_405 = arith.constant 2 : i32
        %parallel_loop3A_406 = arith.muli %parallel_loop3A_404, %parallel_loop3A_405 : i32
        %parallel_loop3A_407 = arith.constant 0 : i32
        %parallel_loop3A_408 = arith.addi %parallel_loop3A_407, %parallel_loop3A_406 : i32
        %parallel_loop3A_409 = arith.constant 0 : i32
        %parallel_loop3A_410 = arith.addi %parallel_loop3A_408, %parallel_loop3A_409 : i32
        %parallel_loop3A_411 = arith.constant 16 : i32
        %parallel_loop3A_412 = arith.muli %parallel_loop3A_410, %parallel_loop3A_411 : i32
        %parallel_loop3A_413 = arith.index_cast %parallel_loop3A_412 : i32 to index
        %parallel_loop3A_414 = tpu.vector_load %arg5[%parallel_loop3A_413] {strides = array<i32>} : memref<16448xi32, #tpu.memory_space<vmem>>, vector<16xi32>,
        %parallel_loop3A_415 = arith.constant 1 : i32
        %parallel_loop3A_416 = arith.addi %parallel_loop3A_408, %parallel_loop3A_415 : i32
        %parallel_loop3A_417 = arith.constant 16 : i32
        %parallel_loop3A_418 = arith.muli %parallel_loop3A_416, %parallel_loop3A_417 : i32
        %parallel_loop3A_419 = arith.index_cast %parallel_loop3A_418 : i32 to index
        %parallel_loop3A_420 = tpu.vector_load %arg5[%parallel_loop3A_419] {strides = array<i32>} : memref<16448xi32, #tpu.memory_space<vmem>>, vector<16xi32>,
        %parallel_loop3A_421 = arith.constant 65535 : i32
        %parallel_loop3A_422 = vector.broadcast %parallel_loop3A_421 : i32 to vector<16xi32>
        %parallel_loop3A_423 = arith.andi %parallel_loop3A_414, %parallel_loop3A_422 : vector<16xi32>
        %parallel_loop3A_424 = arith.constant 65535 : i32
        %parallel_loop3A_425 = vector.broadcast %parallel_loop3A_424 : i32 to vector<16xi32>
        %parallel_loop3A_426 = arith.andi %parallel_loop3A_420, %parallel_loop3A_425 : vector<16xi32>
        %parallel_loop3A_427 = arith.constant 16 : i32
        %parallel_loop3A_428 = vector.broadcast %parallel_loop3A_427 : i32 to vector<16xi32>
        %parallel_loop3A_429 = arith.shrui %parallel_loop3A_414, %parallel_loop3A_428 : vector<16xi32>
        %parallel_loop3A_430 = arith.constant 16 : i32
        %parallel_loop3A_431 = vector.broadcast %parallel_loop3A_430 : i32 to vector<16xi32>
        %parallel_loop3A_432 = arith.shrui %parallel_loop3A_420, %parallel_loop3A_431 : vector<16xi32>
        %parallel_loop3A_433 = tpu.vector_load_idx %arg6[%parallel_loop3A_423] : memref<32768xf32, #tpu.memory_space<vmem>>[vector<16xi32>], vector<16xf32>,
        %parallel_loop3A_434 = tpu.vector_load_idx %arg6[%parallel_loop3A_429] : memref<32768xf32, #tpu.memory_space<vmem>>[vector<16xi32>], vector<16xf32>,
        %parallel_loop3A_435 = tpu.vector_load_idx %arg6[%parallel_loop3A_426] : memref<32768xf32, #tpu.memory_space<vmem>>[vector<16xi32>], vector<16xf32>,
        %parallel_loop3A_436 = tpu.vector_load_idx %arg6[%parallel_loop3A_432] : memref<32768xf32, #tpu.memory_space<vmem>>[vector<16xi32>], vector<16xf32>,
        %parallel_loop3A_437 = arith.constant 0 : i32
        %parallel_loop3A_438 = arith.addi %parallel_loop3A_408, %parallel_loop3A_437 : i32
        %parallel_loop3A_439 = arith.constant 32 : i32
        %parallel_loop3A_440 = arith.muli %parallel_loop3A_438, %parallel_loop3A_439 : i32
        %parallel_loop3A_441 = arith.index_cast %parallel_loop3A_440 : i32 to index
        %parallel_loop3A_442 = tpu.vector_load %arg8[%parallel_loop3A_441] {strides = array<i32>} : memref<32896xf32, #tpu.memory_space<vmem>>, vector<16xf32>,
        tpu.vector_store %arg8[%parallel_loop3A_441], %parallel_loop3A_433 {strides = array<i32>} : memref<32896xf32, #tpu.memory_space<vmem>>, vector<16xf32>,
        %parallel_loop3A_443 = arith.constant 16 : i32
        %parallel_loop3A_444 = arith.addi %parallel_loop3A_440, %parallel_loop3A_443 : i32
        %parallel_loop3A_445 = arith.index_cast %parallel_loop3A_444 : i32 to index
        %parallel_loop3A_446 = tpu.vector_load %arg8[%parallel_loop3A_445] {strides = array<i32>} : memref<32896xf32, #tpu.memory_space<vmem>>, vector<16xf32>,
        tpu.vector_store %arg8[%parallel_loop3A_445], %parallel_loop3A_434 {strides = array<i32>} : memref<32896xf32, #tpu.memory_space<vmem>>, vector<16xf32>,
        %parallel_loop3A_447 = arith.constant 1 : i32
        %parallel_loop3A_448 = arith.addi %parallel_loop3A_408, %parallel_loop3A_447 : i32
        %parallel_loop3A_449 = arith.constant 32 : i32
        %parallel_loop3A_450 = arith.muli %parallel_loop3A_448, %parallel_loop3A_449 : i32
        %parallel_loop3A_451 = arith.index_cast %parallel_loop3A_450 : i32 to index
        %parallel_loop3A_452 = tpu.vector_load %arg8[%parallel_loop3A_451] {strides = array<i32>} : memref<32896xf32, #tpu.memory_space<vmem>>, vector<16xf32>,
        tpu.vector_store %arg8[%parallel_loop3A_451], %parallel_loop3A_435 {strides = array<i32>} : memref<32896xf32, #tpu.memory_space<vmem>>, vector<16xf32>,
        %parallel_loop3A_453 = arith.constant 16 : i32
        %parallel_loop3A_454 = arith.addi %parallel_loop3A_450, %parallel_loop3A_453 : i32
        %parallel_loop3A_455 = arith.index_cast %parallel_loop3A_454 : i32 to index
        %parallel_loop3A_456 = tpu.vector_load %arg8[%parallel_loop3A_455] {strides = array<i32>} : memref<32896xf32, #tpu.memory_space<vmem>>, vector<16xf32>,
        tpu.vector_store %arg8[%parallel_loop3A_455], %parallel_loop3A_436 {strides = array<i32>} : memref<32896xf32, #tpu.memory_space<vmem>>, vector<16xf32>,
      } {sc.loop_unroll_factor = 4 : i64, sc.parallel_access}
      %lt3A = arith.constant 31 : i32
      %lt3A_209 = arith.cmpi slt, %scan3A_197, %lt3A : i32
      %convert_element_type3A_210 = arith.extui %lt3A_209 : i1 to i32
      %cond3A_211 = arith.constant 0 : i32
      %cond3A_212 = arith.cmpi ne, %convert_element_type3A_210, %cond3A_211 : i32
      scf.if %cond3A_212 {
        %add3A_404 = arith.constant 1 : i32
        %add3A_405 = arith.addi %add3A_198, %add3A_404 : i32
        %dma_start3A_406 = arith.constant 0 : i32
        %dma_start3A_407 = tpu.memref_slice %arg2[%add3A_405, %dma_start3A_406] : memref<1024x65536xf32, #tpu.memory_space<hbm>> -> memref<1x32768xf32, #tpu.memory_space<hbm>>
        %dma_start3A_408 = tpu.memref_squeeze %dma_start3A_407 : memref<1x32768xf32, #tpu.memory_space<hbm>> -> memref<32768xf32, #tpu.memory_space<hbm>>
        %dma_start3A_409 = arith.constant 0 : i32
        %dma_start3A_410 = tpu.memref_slice %arg2[%add3A_405, %dma_start3A_409] : memref<1024x65536xf32, #tpu.memory_space<hbm>> -> memref<1x32768xf32, #tpu.memory_space<hbm>>
        %dma_start3A_411 = tpu.memref_squeeze %dma_start3A_410 : memref<1x32768xf32, #tpu.memory_space<hbm>> -> memref<32768xf32, #tpu.memory_space<hbm>>
        tpu.enqueue_dma source(%dma_start3A_411 : memref<32768xf32, #tpu.memory_space<hbm>>) target(%arg6 : memref<32768xf32, #tpu.memory_space<vmem>>) target_semaphore(%arg9 : memref<!tpu.dma_semaphore, #tpu.memory_space<semaphore_mem>>)
      } else {
      }
      %mul3A_213 = arith.constant 32896 : i32
      %mul3A_214 = arith.muli %add3A_198, %mul3A_213 : i32
      %dma_start3A_215 = arith.constant 0 : i32
      %dma_start3A_216 = tpu.memref_slice %arg8[%dma_start3A_215] : memref<32896xf32, #tpu.memory_space<vmem>> -> memref<24640xf32, #tpu.memory_space<vmem>>
      %dma_start3A_217 = tpu.memref_slice %arg4[%mul3A_214] : memref<33685504xf32, #tpu.memory_space<hbm>> -> memref<24640xf32, #tpu.memory_space<hbm>>
      %dma_start3A_218 = tpu.memref_slice %arg4[%mul3A_214] : memref<33685504xf32, #tpu.memory_space<hbm>> -> memref<24640xf32, #tpu.memory_space<hbm>>
      %dma_start3A_219 = arith.constant 0 : i32
      %dma_start3A_220 = tpu.memref_slice %arg8[%dma_start3A_219] : memref<32896xf32, #tpu.memory_space<vmem>> -> memref<24640xf32, #tpu.memory_space<vmem>>
      tpu.enqueue_dma source(%dma_start3A_220 : memref<24640xf32, #tpu.memory_space<vmem>>) target(%dma_start3A_218 : memref<24640xf32, #tpu.memory_space<hbm>>) target_semaphore(%arg11 : memref<!tpu.dma_semaphore, #tpu.memory_space<semaphore_mem>>)
      %dma_wait3A_221 = arith.constant 0 : i32
      %dma_wait3A_222 = tpu.memref_slice %arg7[%dma_wait3A_221] : memref<16384xf32, #tpu.memory_space<vmem>> -> memref<1024xf32, #tpu.memory_space<vmem>>
      %dma_wait3A_223 = arith.constant 33792 : i32
      %dma_wait3A_224 = tpu.memref_slice %arg2[%add3A_198, %dma_wait3A_223] : memref<1024x65536xf32, #tpu.memory_space<hbm>> -> memref<1x1024xf32, #tpu.memory_space<hbm>>
      %dma_wait3A_225 = tpu.memref_squeeze %dma_wait3A_224 : memref<1x1024xf32, #tpu.memory_space<hbm>> -> memref<1024xf32, #tpu.memory_space<hbm>>
      %dma_wait3A_226 = arith.constant 0 : i32
      %dma_wait3A_227 = tpu.memref_slice %arg7[%dma_wait3A_226] : memref<16384xf32, #tpu.memory_space<vmem>> -> memref<1024xf32, #tpu.memory_space<vmem>>
      %dma_wait3A_228 = arith.constant 33792 : i32
      %dma_wait3A_229 = tpu.memref_slice %arg2[%add3A_198, %dma_wait3A_228] : memref<1024x65536xf32, #tpu.memory_space<hbm>> -> memref<1x1024xf32, #tpu.memory_space<hbm>>
      %dma_wait3A_230 = tpu.memref_squeeze %dma_wait3A_229 : memref<1x1024xf32, #tpu.memory_space<hbm>> -> memref<1024xf32, #tpu.memory_space<hbm>>
      tpu.wait_dma2 semaphore(%arg10 : memref<!tpu.dma_semaphore, #tpu.memory_space<semaphore_mem>>) src(%dma_wait3A_230 : memref<1024xf32, #tpu.memory_space<hbm>>) dst(%dma_wait3A_227 : memref<1024xf32, #tpu.memory_space<vmem>>)
      %dma_wait3A_231 = arith.constant 1024 : i32
      %dma_wait3A_232 = tpu.memref_slice %arg7[%dma_wait3A_231] : memref<16384xf32, #tpu.memory_space<vmem>> -> memref<1024xf32, #tpu.memory_space<vmem>>
      %dma_wait3A_233 = arith.constant 35840 : i32
      %dma_wait3A_234 = tpu.memref_slice %arg2[%add3A_198, %dma_wait3A_233] : memref<1024x65536xf32, #tpu.memory_space<hbm>> -> memref<1x1024xf32, #tpu.memory_space<hbm>>
      %dma_wait3A_235 = tpu.memref_squeeze %dma_wait3A_234 : memref<1x1024xf32, #tpu.memory_space<hbm>> -> memref<1024xf32, #tpu.memory_space<hbm>>
      %dma_wait3A_236 = arith.constant 1024 : i32
      %dma_wait3A_237 = tpu.memref_slice %arg7[%dma_wait3A_236] : memref<16384xf32, #tpu.memory_space<vmem>> -> memref<1024xf32, #tpu.memory_space<vmem>>
      %dma_wait3A_238 = arith.constant 35840 : i32
      %dma_wait3A_239 = tpu.memref_slice %arg2[%add3A_198, %dma_wait3A_238] : memref<1024x65536xf32, #tpu.memory_space<hbm>> -> memref<1x1024xf32, #tpu.memory_space<hbm>>
      %dma_wait3A_240 = tpu.memref_squeeze %dma_wait3A_239 : memref<1x1024xf32, #tpu.memory_space<hbm>> -> memref<1024xf32, #tpu.memory_space<hbm>>
      tpu.wait_dma2 semaphore(%arg10 : memref<!tpu.dma_semaphore, #tpu.memory_space<semaphore_mem>>) src(%dma_wait3A_240 : memref<1024xf32, #tpu.memory_space<hbm>>) dst(%dma_wait3A_237 : memref<1024xf32, #tpu.memory_space<vmem>>)
      %dma_wait3A_241 = arith.constant 2048 : i32
      %dma_wait3A_242 = tpu.memref_slice %arg7[%dma_wait3A_241] : memref<16384xf32, #tpu.memory_space<vmem>> -> memref<1024xf32, #tpu.memory_space<vmem>>
      %dma_wait3A_243 = arith.constant 37888 : i32
      %dma_wait3A_244 = tpu.memref_slice %arg2[%add3A_198, %dma_wait3A_243] : memref<1024x65536xf32, #tpu.memory_space<hbm>> -> memref<1x1024xf32, #tpu.memory_space<hbm>>
      %dma_wait3A_245 = tpu.memref_squeeze %dma_wait3A_244 : memref<1x1024xf32, #tpu.memory_space<hbm>> -> memref<1024xf32, #tpu.memory_space<hbm>>
      %dma_wait3A_246 = arith.constant 2048 : i32
      %dma_wait3A_247 = tpu.memref_slice %arg7[%dma_wait3A_246] : memref<16384xf32, #tpu.memory_space<vmem>> -> memref<1024xf32, #tpu.memory_space<vmem>>
      %dma_wait3A_248 = arith.constant 37888 : i32
      %dma_wait3A_249 = tpu.memref_slice %arg2[%add3A_198, %dma_wait3A_248] : memref<1024x65536xf32, #tpu.memory_space<hbm>> -> memref<1x1024xf32, #tpu.memory_space<hbm>>
      %dma_wait3A_250 = tpu.memref_squeeze %dma_wait3A_249 : memref<1x1024xf32, #tpu.memory_space<hbm>> -> memref<1024xf32, #tpu.memory_space<hbm>>
      tpu.wait_dma2 semaphore(%arg10 : memref<!tpu.dma_semaphore, #tpu.memory_space<semaphore_mem>>) src(%dma_wait3A_250 : memref<1024xf32, #tpu.memory_space<hbm>>) dst(%dma_wait3A_247 : memref<1024xf32, #tpu.memory_space<vmem>>)
      %dma_wait3A_251 = arith.constant 3072 : i32
      %dma_wait3A_252 = tpu.memref_slice %arg7[%dma_wait3A_251] : memref<16384xf32, #tpu.memory_space<vmem>> -> memref<1024xf32, #tpu.memory_space<vmem>>
      %dma_wait3A_253 = arith.constant 39936 : i32
      %dma_wait3A_254 = tpu.memref_slice %arg2[%add3A_198, %dma_wait3A_253] : memref<1024x65536xf32, #tpu.memory_space<hbm>> -> memref<1x1024xf32, #tpu.memory_space<hbm>>
      %dma_wait3A_255 = tpu.memref_squeeze %dma_wait3A_254 : memref<1x1024xf32, #tpu.memory_space<hbm>> -> memref<1024xf32, #tpu.memory_space<hbm>>
      %dma_wait3A_256 = arith.constant 3072 : i32
      %dma_wait3A_257 = tpu.memref_slice %arg7[%dma_wait3A_256] : memref<16384xf32, #tpu.memory_space<vmem>> -> memref<1024xf32, #tpu.memory_space<vmem>>
      %dma_wait3A_258 = arith.constant 39936 : i32
      %dma_wait3A_259 = tpu.memref_slice %arg2[%add3A_198, %dma_wait3A_258] : memref<1024x65536xf32, #tpu.memory_space<hbm>> -> memref<1x1024xf32, #tpu.memory_space<hbm>>
      %dma_wait3A_260 = tpu.memref_squeeze %dma_wait3A_259 : memref<1x1024xf32, #tpu.memory_space<hbm>> -> memref<1024xf32, #tpu.memory_space<hbm>>
      tpu.wait_dma2 semaphore(%arg10 : memref<!tpu.dma_semaphore, #tpu.memory_space<semaphore_mem>>) src(%dma_wait3A_260 : memref<1024xf32, #tpu.memory_space<hbm>>) dst(%dma_wait3A_257 : memref<1024xf32, #tpu.memory_space<vmem>>)
      %dma_wait3A_261 = arith.constant 4096 : i32
      %dma_wait3A_262 = tpu.memref_slice %arg7[%dma_wait3A_261] : memref<16384xf32, #tpu.memory_space<vmem>> -> memref<1024xf32, #tpu.memory_space<vmem>>
      %dma_wait3A_263 = arith.constant 41984 : i32
      %dma_wait3A_264 = tpu.memref_slice %arg2[%add3A_198, %dma_wait3A_263] : memref<1024x65536xf32, #tpu.memory_space<hbm>> -> memref<1x1024xf32, #tpu.memory_space<hbm>>
      %dma_wait3A_265 = tpu.memref_squeeze %dma_wait3A_264 : memref<1x1024xf32, #tpu.memory_space<hbm>> -> memref<1024xf32, #tpu.memory_space<hbm>>
      %dma_wait3A_266 = arith.constant 4096 : i32
      %dma_wait3A_267 = tpu.memref_slice %arg7[%dma_wait3A_266] : memref<16384xf32, #tpu.memory_space<vmem>> -> memref<1024xf32, #tpu.memory_space<vmem>>
      %dma_wait3A_268 = arith.constant 41984 : i32
      %dma_wait3A_269 = tpu.memref_slice %arg2[%add3A_198, %dma_wait3A_268] : memref<1024x65536xf32, #tpu.memory_space<hbm>> -> memref<1x1024xf32, #tpu.memory_space<hbm>>
      %dma_wait3A_270 = tpu.memref_squeeze %dma_wait3A_269 : memref<1x1024xf32, #tpu.memory_space<hbm>> -> memref<1024xf32, #tpu.memory_space<hbm>>
      tpu.wait_dma2 semaphore(%arg10 : memref<!tpu.dma_semaphore, #tpu.memory_space<semaphore_mem>>) src(%dma_wait3A_270 : memref<1024xf32, #tpu.memory_space<hbm>>) dst(%dma_wait3A_267 : memref<1024xf32, #tpu.memory_space<vmem>>)
      %dma_wait3A_271 = arith.constant 5120 : i32
      %dma_wait3A_272 = tpu.memref_slice %arg7[%dma_wait3A_271] : memref<16384xf32, #tpu.memory_space<vmem>> -> memref<1024xf32, #tpu.memory_space<vmem>>
      %dma_wait3A_273 = arith.constant 44032 : i32
      %dma_wait3A_274 = tpu.memref_slice %arg2[%add3A_198, %dma_wait3A_273] : memref<1024x65536xf32, #tpu.memory_space<hbm>> -> memref<1x1024xf32, #tpu.memory_space<hbm>>
      %dma_wait3A_275 = tpu.memref_squeeze %dma_wait3A_274 : memref<1x1024xf32, #tpu.memory_space<hbm>> -> memref<1024xf32, #tpu.memory_space<hbm>>
      %dma_wait3A_276 = arith.constant 5120 : i32
      %dma_wait3A_277 = tpu.memref_slice %arg7[%dma_wait3A_276] : memref<16384xf32, #tpu.memory_space<vmem>> -> memref<1024xf32, #tpu.memory_space<vmem>>
      %dma_wait3A_278 = arith.constant 44032 : i32
      %dma_wait3A_279 = tpu.memref_slice %arg2[%add3A_198, %dma_wait3A_278] : memref<1024x65536xf32, #tpu.memory_space<hbm>> -> memref<1x1024xf32, #tpu.memory_space<hbm>>
      %dma_wait3A_280 = tpu.memref_squeeze %dma_wait3A_279 : memref<1x1024xf32, #tpu.memory_space<hbm>> -> memref<1024xf32, #tpu.memory_space<hbm>>
      tpu.wait_dma2 semaphore(%arg10 : memref<!tpu.dma_semaphore, #tpu.memory_space<semaphore_mem>>) src(%dma_wait3A_280 : memref<1024xf32, #tpu.memory_space<hbm>>) dst(%dma_wait3A_277 : memref<1024xf32, #tpu.memory_space<vmem>>)
      %dma_wait3A_281 = arith.constant 6144 : i32
      %dma_wait3A_282 = tpu.memref_slice %arg7[%dma_wait3A_281] : memref<16384xf32, #tpu.memory_space<vmem>> -> memref<1024xf32, #tpu.memory_space<vmem>>
      %dma_wait3A_283 = arith.constant 46080 : i32
      %dma_wait3A_284 = tpu.memref_slice %arg2[%add3A_198, %dma_wait3A_283] : memref<1024x65536xf32, #tpu.memory_space<hbm>> -> memref<1x1024xf32, #tpu.memory_space<hbm>>
      %dma_wait3A_285 = tpu.memref_squeeze %dma_wait3A_284 : memref<1x1024xf32, #tpu.memory_space<hbm>> -> memref<1024xf32, #tpu.memory_space<hbm>>
      %dma_wait3A_286 = arith.constant 6144 : i32
      %dma_wait3A_287 = tpu.memref_slice %arg7[%dma_wait3A_286] : memref<16384xf32, #tpu.memory_space<vmem>> -> memref<1024xf32, #tpu.memory_space<vmem>>
      %dma_wait3A_288 = arith.constant 46080 : i32
      %dma_wait3A_289 = tpu.memref_slice %arg2[%add3A_198, %dma_wait3A_288] : memref<1024x65536xf32, #tpu.memory_space<hbm>> -> memref<1x1024xf32, #tpu.memory_space<hbm>>
      %dma_wait3A_290 = tpu.memref_squeeze %dma_wait3A_289 : memref<1x1024xf32, #tpu.memory_space<hbm>> -> memref<1024xf32, #tpu.memory_space<hbm>>
      tpu.wait_dma2 semaphore(%arg10 : memref<!tpu.dma_semaphore, #tpu.memory_space<semaphore_mem>>) src(%dma_wait3A_290 : memref<1024xf32, #tpu.memory_space<hbm>>) dst(%dma_wait3A_287 : memref<1024xf32, #tpu.memory_space<vmem>>)
      %dma_wait3A_291 = arith.constant 7168 : i32
      %dma_wait3A_292 = tpu.memref_slice %arg7[%dma_wait3A_291] : memref<16384xf32, #tpu.memory_space<vmem>> -> memref<1024xf32, #tpu.memory_space<vmem>>
      %dma_wait3A_293 = arith.constant 48128 : i32
      %dma_wait3A_294 = tpu.memref_slice %arg2[%add3A_198, %dma_wait3A_293] : memref<1024x65536xf32, #tpu.memory_space<hbm>> -> memref<1x1024xf32, #tpu.memory_space<hbm>>
      %dma_wait3A_295 = tpu.memref_squeeze %dma_wait3A_294 : memref<1x1024xf32, #tpu.memory_space<hbm>> -> memref<1024xf32, #tpu.memory_space<hbm>>
      %dma_wait3A_296 = arith.constant 7168 : i32
      %dma_wait3A_297 = tpu.memref_slice %arg7[%dma_wait3A_296] : memref<16384xf32, #tpu.memory_space<vmem>> -> memref<1024xf32, #tpu.memory_space<vmem>>
      %dma_wait3A_298 = arith.constant 48128 : i32
      %dma_wait3A_299 = tpu.memref_slice %arg2[%add3A_198, %dma_wait3A_298] : memref<1024x65536xf32, #tpu.memory_space<hbm>> -> memref<1x1024xf32, #tpu.memory_space<hbm>>
      %dma_wait3A_300 = tpu.memref_squeeze %dma_wait3A_299 : memref<1x1024xf32, #tpu.memory_space<hbm>> -> memref<1024xf32, #tpu.memory_space<hbm>>
      tpu.wait_dma2 semaphore(%arg10 : memref<!tpu.dma_semaphore, #tpu.memory_space<semaphore_mem>>) src(%dma_wait3A_300 : memref<1024xf32, #tpu.memory_space<hbm>>) dst(%dma_wait3A_297 : memref<1024xf32, #tpu.memory_space<vmem>>)
      %dma_wait3A_301 = arith.constant 8192 : i32
      %dma_wait3A_302 = tpu.memref_slice %arg7[%dma_wait3A_301] : memref<16384xf32, #tpu.memory_space<vmem>> -> memref<1024xf32, #tpu.memory_space<vmem>>
      %dma_wait3A_303 = arith.constant 50176 : i32
      %dma_wait3A_304 = tpu.memref_slice %arg2[%add3A_198, %dma_wait3A_303] : memref<1024x65536xf32, #tpu.memory_space<hbm>> -> memref<1x1024xf32, #tpu.memory_space<hbm>>
      %dma_wait3A_305 = tpu.memref_squeeze %dma_wait3A_304 : memref<1x1024xf32, #tpu.memory_space<hbm>> -> memref<1024xf32, #tpu.memory_space<hbm>>
      %dma_wait3A_306 = arith.constant 8192 : i32
      %dma_wait3A_307 = tpu.memref_slice %arg7[%dma_wait3A_306] : memref<16384xf32, #tpu.memory_space<vmem>> -> memref<1024xf32, #tpu.memory_space<vmem>>
      %dma_wait3A_308 = arith.constant 50176 : i32
      %dma_wait3A_309 = tpu.memref_slice %arg2[%add3A_198, %dma_wait3A_308] : memref<1024x65536xf32, #tpu.memory_space<hbm>> -> memref<1x1024xf32, #tpu.memory_space<hbm>>
      %dma_wait3A_310 = tpu.memref_squeeze %dma_wait3A_309 : memref<1x1024xf32, #tpu.memory_space<hbm>> -> memref<1024xf32, #tpu.memory_space<hbm>>
      tpu.wait_dma2 semaphore(%arg10 : memref<!tpu.dma_semaphore, #tpu.memory_space<semaphore_mem>>) src(%dma_wait3A_310 : memref<1024xf32, #tpu.memory_space<hbm>>) dst(%dma_wait3A_307 : memref<1024xf32, #tpu.memory_space<vmem>>)
      %dma_wait3A_311 = arith.constant 9216 : i32
      %dma_wait3A_312 = tpu.memref_slice %arg7[%dma_wait3A_311] : memref<16384xf32, #tpu.memory_space<vmem>> -> memref<1024xf32, #tpu.memory_space<vmem>>
      %dma_wait3A_313 = arith.constant 52224 : i32
      %dma_wait3A_314 = tpu.memref_slice %arg2[%add3A_198, %dma_wait3A_313] : memref<1024x65536xf32, #tpu.memory_space<hbm>> -> memref<1x1024xf32, #tpu.memory_space<hbm>>
      %dma_wait3A_315 = tpu.memref_squeeze %dma_wait3A_314 : memref<1x1024xf32, #tpu.memory_space<hbm>> -> memref<1024xf32, #tpu.memory_space<hbm>>
      %dma_wait3A_316 = arith.constant 9216 : i32
      %dma_wait3A_317 = tpu.memref_slice %arg7[%dma_wait3A_316] : memref<16384xf32, #tpu.memory_space<vmem>> -> memref<1024xf32, #tpu.memory_space<vmem>>
      %dma_wait3A_318 = arith.constant 52224 : i32
      %dma_wait3A_319 = tpu.memref_slice %arg2[%add3A_198, %dma_wait3A_318] : memref<1024x65536xf32, #tpu.memory_space<hbm>> -> memref<1x1024xf32, #tpu.memory_space<hbm>>
      %dma_wait3A_320 = tpu.memref_squeeze %dma_wait3A_319 : memref<1x1024xf32, #tpu.memory_space<hbm>> -> memref<1024xf32, #tpu.memory_space<hbm>>
      tpu.wait_dma2 semaphore(%arg10 : memref<!tpu.dma_semaphore, #tpu.memory_space<semaphore_mem>>) src(%dma_wait3A_320 : memref<1024xf32, #tpu.memory_space<hbm>>) dst(%dma_wait3A_317 : memref<1024xf32, #tpu.memory_space<vmem>>)
      %dma_wait3A_321 = arith.constant 10240 : i32
      %dma_wait3A_322 = tpu.memref_slice %arg7[%dma_wait3A_321] : memref<16384xf32, #tpu.memory_space<vmem>> -> memref<1024xf32, #tpu.memory_space<vmem>>
      %dma_wait3A_323 = arith.constant 54272 : i32
      %dma_wait3A_324 = tpu.memref_slice %arg2[%add3A_198, %dma_wait3A_323] : memref<1024x65536xf32, #tpu.memory_space<hbm>> -> memref<1x1024xf32, #tpu.memory_space<hbm>>
      %dma_wait3A_325 = tpu.memref_squeeze %dma_wait3A_324 : memref<1x1024xf32, #tpu.memory_space<hbm>> -> memref<1024xf32, #tpu.memory_space<hbm>>
      %dma_wait3A_326 = arith.constant 10240 : i32
      %dma_wait3A_327 = tpu.memref_slice %arg7[%dma_wait3A_326] : memref<16384xf32, #tpu.memory_space<vmem>> -> memref<1024xf32, #tpu.memory_space<vmem>>
      %dma_wait3A_328 = arith.constant 54272 : i32
      %dma_wait3A_329 = tpu.memref_slice %arg2[%add3A_198, %dma_wait3A_328] : memref<1024x65536xf32, #tpu.memory_space<hbm>> -> memref<1x1024xf32, #tpu.memory_space<hbm>>
      %dma_wait3A_330 = tpu.memref_squeeze %dma_wait3A_329 : memref<1x1024xf32, #tpu.memory_space<hbm>> -> memref<1024xf32, #tpu.memory_space<hbm>>
      tpu.wait_dma2 semaphore(%arg10 : memref<!tpu.dma_semaphore, #tpu.memory_space<semaphore_mem>>) src(%dma_wait3A_330 : memref<1024xf32, #tpu.memory_space<hbm>>) dst(%dma_wait3A_327 : memref<1024xf32, #tpu.memory_space<vmem>>)
      %dma_wait3A_331 = arith.constant 11264 : i32
      %dma_wait3A_332 = tpu.memref_slice %arg7[%dma_wait3A_331] : memref<16384xf32, #tpu.memory_space<vmem>> -> memref<1024xf32, #tpu.memory_space<vmem>>
      %dma_wait3A_333 = arith.constant 56320 : i32
      %dma_wait3A_334 = tpu.memref_slice %arg2[%add3A_198, %dma_wait3A_333] : memref<1024x65536xf32, #tpu.memory_space<hbm>> -> memref<1x1024xf32, #tpu.memory_space<hbm>>
      %dma_wait3A_335 = tpu.memref_squeeze %dma_wait3A_334 : memref<1x1024xf32, #tpu.memory_space<hbm>> -> memref<1024xf32, #tpu.memory_space<hbm>>
      %dma_wait3A_336 = arith.constant 11264 : i32
      %dma_wait3A_337 = tpu.memref_slice %arg7[%dma_wait3A_336] : memref<16384xf32, #tpu.memory_space<vmem>> -> memref<1024xf32, #tpu.memory_space<vmem>>
      %dma_wait3A_338 = arith.constant 56320 : i32
      %dma_wait3A_339 = tpu.memref_slice %arg2[%add3A_198, %dma_wait3A_338] : memref<1024x65536xf32, #tpu.memory_space<hbm>> -> memref<1x1024xf32, #tpu.memory_space<hbm>>
      %dma_wait3A_340 = tpu.memref_squeeze %dma_wait3A_339 : memref<1x1024xf32, #tpu.memory_space<hbm>> -> memref<1024xf32, #tpu.memory_space<hbm>>
      tpu.wait_dma2 semaphore(%arg10 : memref<!tpu.dma_semaphore, #tpu.memory_space<semaphore_mem>>) src(%dma_wait3A_340 : memref<1024xf32, #tpu.memory_space<hbm>>) dst(%dma_wait3A_337 : memref<1024xf32, #tpu.memory_space<vmem>>)
      %dma_wait3A_341 = arith.constant 12288 : i32
      %dma_wait3A_342 = tpu.memref_slice %arg7[%dma_wait3A_341] : memref<16384xf32, #tpu.memory_space<vmem>> -> memref<1024xf32, #tpu.memory_space<vmem>>
      %dma_wait3A_343 = arith.constant 58368 : i32
      %dma_wait3A_344 = tpu.memref_slice %arg2[%add3A_198, %dma_wait3A_343] : memref<1024x65536xf32, #tpu.memory_space<hbm>> -> memref<1x1024xf32, #tpu.memory_space<hbm>>
      %dma_wait3A_345 = tpu.memref_squeeze %dma_wait3A_344 : memref<1x1024xf32, #tpu.memory_space<hbm>> -> memref<1024xf32, #tpu.memory_space<hbm>>
      %dma_wait3A_346 = arith.constant 12288 : i32
      %dma_wait3A_347 = tpu.memref_slice %arg7[%dma_wait3A_346] : memref<16384xf32, #tpu.memory_space<vmem>> -> memref<1024xf32, #tpu.memory_space<vmem>>
      %dma_wait3A_348 = arith.constant 58368 : i32
      %dma_wait3A_349 = tpu.memref_slice %arg2[%add3A_198, %dma_wait3A_348] : memref<1024x65536xf32, #tpu.memory_space<hbm>> -> memref<1x1024xf32, #tpu.memory_space<hbm>>
      %dma_wait3A_350 = tpu.memref_squeeze %dma_wait3A_349 : memref<1x1024xf32, #tpu.memory_space<hbm>> -> memref<1024xf32, #tpu.memory_space<hbm>>
      tpu.wait_dma2 semaphore(%arg10 : memref<!tpu.dma_semaphore, #tpu.memory_space<semaphore_mem>>) src(%dma_wait3A_350 : memref<1024xf32, #tpu.memory_space<hbm>>) dst(%dma_wait3A_347 : memref<1024xf32, #tpu.memory_space<vmem>>)
      %dma_wait3A_351 = arith.constant 13312 : i32
      %dma_wait3A_352 = tpu.memref_slice %arg7[%dma_wait3A_351] : memref<16384xf32, #tpu.memory_space<vmem>> -> memref<1024xf32, #tpu.memory_space<vmem>>
      %dma_wait3A_353 = arith.constant 60416 : i32
      %dma_wait3A_354 = tpu.memref_slice %arg2[%add3A_198, %dma_wait3A_353] : memref<1024x65536xf32, #tpu.memory_space<hbm>> -> memref<1x1024xf32, #tpu.memory_space<hbm>>
      %dma_wait3A_355 = tpu.memref_squeeze %dma_wait3A_354 : memref<1x1024xf32, #tpu.memory_space<hbm>> -> memref<1024xf32, #tpu.memory_space<hbm>>
      %dma_wait3A_356 = arith.constant 13312 : i32
      %dma_wait3A_357 = tpu.memref_slice %arg7[%dma_wait3A_356] : memref<16384xf32, #tpu.memory_space<vmem>> -> memref<1024xf32, #tpu.memory_space<vmem>>
      %dma_wait3A_358 = arith.constant 60416 : i32
      %dma_wait3A_359 = tpu.memref_slice %arg2[%add3A_198, %dma_wait3A_358] : memref<1024x65536xf32, #tpu.memory_space<hbm>> -> memref<1x1024xf32, #tpu.memory_space<hbm>>
      %dma_wait3A_360 = tpu.memref_squeeze %dma_wait3A_359 : memref<1x1024xf32, #tpu.memory_space<hbm>> -> memref<1024xf32, #tpu.memory_space<hbm>>
      tpu.wait_dma2 semaphore(%arg10 : memref<!tpu.dma_semaphore, #tpu.memory_space<semaphore_mem>>) src(%dma_wait3A_360 : memref<1024xf32, #tpu.memory_space<hbm>>) dst(%dma_wait3A_357 : memref<1024xf32, #tpu.memory_space<vmem>>)
      %dma_wait3A_361 = arith.constant 14336 : i32
      %dma_wait3A_362 = tpu.memref_slice %arg7[%dma_wait3A_361] : memref<16384xf32, #tpu.memory_space<vmem>> -> memref<1024xf32, #tpu.memory_space<vmem>>
      %dma_wait3A_363 = arith.constant 62464 : i32
      %dma_wait3A_364 = tpu.memref_slice %arg2[%add3A_198, %dma_wait3A_363] : memref<1024x65536xf32, #tpu.memory_space<hbm>> -> memref<1x1024xf32, #tpu.memory_space<hbm>>
      %dma_wait3A_365 = tpu.memref_squeeze %dma_wait3A_364 : memref<1x1024xf32, #tpu.memory_space<hbm>> -> memref<1024xf32, #tpu.memory_space<hbm>>
      %dma_wait3A_366 = arith.constant 14336 : i32
      %dma_wait3A_367 = tpu.memref_slice %arg7[%dma_wait3A_366] : memref<16384xf32, #tpu.memory_space<vmem>> -> memref<1024xf32, #tpu.memory_space<vmem>>
      %dma_wait3A_368 = arith.constant 62464 : i32
      %dma_wait3A_369 = tpu.memref_slice %arg2[%add3A_198, %dma_wait3A_368] : memref<1024x65536xf32, #tpu.memory_space<hbm>> -> memref<1x1024xf32, #tpu.memory_space<hbm>>
      %dma_wait3A_370 = tpu.memref_squeeze %dma_wait3A_369 : memref<1x1024xf32, #tpu.memory_space<hbm>> -> memref<1024xf32, #tpu.memory_space<hbm>>
      tpu.wait_dma2 semaphore(%arg10 : memref<!tpu.dma_semaphore, #tpu.memory_space<semaphore_mem>>) src(%dma_wait3A_370 : memref<1024xf32, #tpu.memory_space<hbm>>) dst(%dma_wait3A_367 : memref<1024xf32, #tpu.memory_space<vmem>>)
      %dma_wait3A_371 = arith.constant 15360 : i32
      %dma_wait3A_372 = tpu.memref_slice %arg7[%dma_wait3A_371] : memref<16384xf32, #tpu.memory_space<vmem>> -> memref<1024xf32, #tpu.memory_space<vmem>>
      %dma_wait3A_373 = arith.constant 64512 : i32
      %dma_wait3A_374 = tpu.memref_slice %arg2[%add3A_198, %dma_wait3A_373] : memref<1024x65536xf32, #tpu.memory_space<hbm>> -> memref<1x1024xf32, #tpu.memory_space<hbm>>
      %dma_wait3A_375 = tpu.memref_squeeze %dma_wait3A_374 : memref<1x1024xf32, #tpu.memory_space<hbm>> -> memref<1024xf32, #tpu.memory_space<hbm>>
      %dma_wait3A_376 = arith.constant 15360 : i32
      %dma_wait3A_377 = tpu.memref_slice %arg7[%dma_wait3A_376] : memref<16384xf32, #tpu.memory_space<vmem>> -> memref<1024xf32, #tpu.memory_space<vmem>>
      %dma_wait3A_378 = arith.constant 64512 : i32
      %dma_wait3A_379 = tpu.memref_slice %arg2[%add3A_198, %dma_wait3A_378] : memref<1024x65536xf32, #tpu.memory_space<hbm>> -> memref<1x1024xf32, #tpu.memory_space<hbm>>
      %dma_wait3A_380 = tpu.memref_squeeze %dma_wait3A_379 : memref<1x1024xf32, #tpu.memory_space<hbm>> -> memref<1024xf32, #tpu.memory_space<hbm>>
      tpu.wait_dma2 semaphore(%arg10 : memref<!tpu.dma_semaphore, #tpu.memory_space<semaphore_mem>>) src(%dma_wait3A_380 : memref<1024xf32, #tpu.memory_space<hbm>>) dst(%dma_wait3A_377 : memref<1024xf32, #tpu.memory_space<vmem>>)
      %gt3A_381 = arith.constant 0 : i32
      %gt3A_382 = arith.cmpi sgt, %scan3A_197, %gt3A_381 : i32
      %convert_element_type3A_383 = arith.extui %gt3A_382 : i1 to i32
      %cond3A_384 = arith.constant 0 : i32
      %cond3A_385 = arith.cmpi ne, %convert_element_type3A_383, %cond3A_384 : i32
      scf.if %cond3A_385 {
        %sub3A_404 = arith.constant 1 : i32
        %sub3A_405 = arith.subi %add3A_198, %sub3A_404 : i32
        %mul3A_406 = arith.constant 32896 : i32
        %mul3A_407 = arith.muli %sub3A_405, %mul3A_406 : i32
        %add3A_408 = arith.constant 24640 : i32
        %add3A_409 = arith.addi %mul3A_407, %add3A_408 : i32
        %dma_wait3A_410 = arith.constant 24640 : i32
        %dma_wait3A_411 = tpu.memref_slice %arg8[%dma_wait3A_410] : memref<32896xf32, #tpu.memory_space<vmem>> -> memref<8256xf32, #tpu.memory_space<vmem>>
        %dma_wait3A_412 = tpu.memref_slice %arg4[%add3A_409] : memref<33685504xf32, #tpu.memory_space<hbm>> -> memref<8256xf32, #tpu.memory_space<hbm>>
        %dma_wait3A_413 = tpu.memref_slice %arg4[%add3A_409] : memref<33685504xf32, #tpu.memory_space<hbm>> -> memref<8256xf32, #tpu.memory_space<hbm>>
        %dma_wait3A_414 = arith.constant 24640 : i32
        %dma_wait3A_415 = tpu.memref_slice %arg8[%dma_wait3A_414] : memref<32896xf32, #tpu.memory_space<vmem>> -> memref<8256xf32, #tpu.memory_space<vmem>>
        tpu.wait_dma2 semaphore(%arg12 : memref<!tpu.dma_semaphore, #tpu.memory_space<semaphore_mem>>) src(%dma_wait3A_415 : memref<8256xf32, #tpu.memory_space<vmem>>) dst(%dma_wait3A_413 : memref<8256xf32, #tpu.memory_space<hbm>>)
      } else {
      }
      %parallel_loop3A_386 = arith.constant 0 : i32
      %parallel_loop3A_387 = arith.constant 129 : i32
      %parallel_loop3A_388 = arith.constant 1 : i32
      scf.for %parallel_loop3A_404 = %parallel_loop3A_386 to %parallel_loop3A_387 step %parallel_loop3A_388  : i32 {
        %parallel_loop3A_405 = arith.constant 2 : i32
        %parallel_loop3A_406 = arith.muli %parallel_loop3A_404, %parallel_loop3A_405 : i32
        %parallel_loop3A_407 = arith.constant 770 : i32
        %parallel_loop3A_408 = arith.addi %parallel_loop3A_407, %parallel_loop3A_406 : i32
        %parallel_loop3A_409 = arith.constant 0 : i32
        %parallel_loop3A_410 = arith.addi %parallel_loop3A_408, %parallel_loop3A_409 : i32
        %parallel_loop3A_411 = arith.constant 16 : i32
        %parallel_loop3A_412 = arith.muli %parallel_loop3A_410, %parallel_loop3A_411 : i32
        %parallel_loop3A_413 = arith.index_cast %parallel_loop3A_412 : i32 to index
        %parallel_loop3A_414 = tpu.vector_load %arg5[%parallel_loop3A_413] {strides = array<i32>} : memref<16448xi32, #tpu.memory_space<vmem>>, vector<16xi32>,
        %parallel_loop3A_415 = arith.constant 1 : i32
        %parallel_loop3A_416 = arith.addi %parallel_loop3A_408, %parallel_loop3A_415 : i32
        %parallel_loop3A_417 = arith.constant 16 : i32
        %parallel_loop3A_418 = arith.muli %parallel_loop3A_416, %parallel_loop3A_417 : i32
        %parallel_loop3A_419 = arith.index_cast %parallel_loop3A_418 : i32 to index
        %parallel_loop3A_420 = tpu.vector_load %arg5[%parallel_loop3A_419] {strides = array<i32>} : memref<16448xi32, #tpu.memory_space<vmem>>, vector<16xi32>,
        %parallel_loop3A_421 = arith.constant 65535 : i32
        %parallel_loop3A_422 = vector.broadcast %parallel_loop3A_421 : i32 to vector<16xi32>
        %parallel_loop3A_423 = arith.andi %parallel_loop3A_414, %parallel_loop3A_422 : vector<16xi32>
        %parallel_loop3A_424 = arith.constant 65535 : i32
        %parallel_loop3A_425 = vector.broadcast %parallel_loop3A_424 : i32 to vector<16xi32>
        %parallel_loop3A_426 = arith.andi %parallel_loop3A_420, %parallel_loop3A_425 : vector<16xi32>
        %parallel_loop3A_427 = arith.constant 16 : i32
        %parallel_loop3A_428 = vector.broadcast %parallel_loop3A_427 : i32 to vector<16xi32>
        %parallel_loop3A_429 = arith.shrui %parallel_loop3A_414, %parallel_loop3A_428 : vector<16xi32>
        %parallel_loop3A_430 = arith.constant 16 : i32
        %parallel_loop3A_431 = vector.broadcast %parallel_loop3A_430 : i32 to vector<16xi32>
        %parallel_loop3A_432 = arith.shrui %parallel_loop3A_420, %parallel_loop3A_431 : vector<16xi32>
        %parallel_loop3A_433 = tpu.vector_load_idx %arg7[%parallel_loop3A_423] : memref<16384xf32, #tpu.memory_space<vmem>>[vector<16xi32>], vector<16xf32>,
        %parallel_loop3A_434 = tpu.vector_load_idx %arg7[%parallel_loop3A_429] : memref<16384xf32, #tpu.memory_space<vmem>>[vector<16xi32>], vector<16xf32>,
        %parallel_loop3A_435 = tpu.vector_load_idx %arg7[%parallel_loop3A_426] : memref<16384xf32, #tpu.memory_space<vmem>>[vector<16xi32>], vector<16xf32>,
        %parallel_loop3A_436 = tpu.vector_load_idx %arg7[%parallel_loop3A_432] : memref<16384xf32, #tpu.memory_space<vmem>>[vector<16xi32>], vector<16xf32>,
        %parallel_loop3A_437 = arith.constant 0 : i32
        %parallel_loop3A_438 = arith.addi %parallel_loop3A_408, %parallel_loop3A_437 : i32
        %parallel_loop3A_439 = arith.constant 32 : i32
        %parallel_loop3A_440 = arith.muli %parallel_loop3A_438, %parallel_loop3A_439 : i32
        %parallel_loop3A_441 = arith.index_cast %parallel_loop3A_440 : i32 to index
        %parallel_loop3A_442 = tpu.vector_load %arg8[%parallel_loop3A_441] {strides = array<i32>} : memref<32896xf32, #tpu.memory_space<vmem>>, vector<16xf32>,
        tpu.vector_store %arg8[%parallel_loop3A_441], %parallel_loop3A_433 {strides = array<i32>} : memref<32896xf32, #tpu.memory_space<vmem>>, vector<16xf32>,
        %parallel_loop3A_443 = arith.constant 16 : i32
        %parallel_loop3A_444 = arith.addi %parallel_loop3A_440, %parallel_loop3A_443 : i32
        %parallel_loop3A_445 = arith.index_cast %parallel_loop3A_444 : i32 to index
        %parallel_loop3A_446 = tpu.vector_load %arg8[%parallel_loop3A_445] {strides = array<i32>} : memref<32896xf32, #tpu.memory_space<vmem>>, vector<16xf32>,
        tpu.vector_store %arg8[%parallel_loop3A_445], %parallel_loop3A_434 {strides = array<i32>} : memref<32896xf32, #tpu.memory_space<vmem>>, vector<16xf32>,
        %parallel_loop3A_447 = arith.constant 1 : i32
        %parallel_loop3A_448 = arith.addi %parallel_loop3A_408, %parallel_loop3A_447 : i32
        %parallel_loop3A_449 = arith.constant 32 : i32
        %parallel_loop3A_450 = arith.muli %parallel_loop3A_448, %parallel_loop3A_449 : i32
        %parallel_loop3A_451 = arith.index_cast %parallel_loop3A_450 : i32 to index
        %parallel_loop3A_452 = tpu.vector_load %arg8[%parallel_loop3A_451] {strides = array<i32>} : memref<32896xf32, #tpu.memory_space<vmem>>, vector<16xf32>,
        tpu.vector_store %arg8[%parallel_loop3A_451], %parallel_loop3A_435 {strides = array<i32>} : memref<32896xf32, #tpu.memory_space<vmem>>, vector<16xf32>,
        %parallel_loop3A_453 = arith.constant 16 : i32
        %parallel_loop3A_454 = arith.addi %parallel_loop3A_450, %parallel_loop3A_453 : i32
        %parallel_loop3A_455 = arith.index_cast %parallel_loop3A_454 : i32 to index
        %parallel_loop3A_456 = tpu.vector_load %arg8[%parallel_loop3A_455] {strides = array<i32>} : memref<32896xf32, #tpu.memory_space<vmem>>, vector<16xf32>,
        tpu.vector_store %arg8[%parallel_loop3A_455], %parallel_loop3A_436 {strides = array<i32>} : memref<32896xf32, #tpu.memory_space<vmem>>, vector<16xf32>,
      } {sc.loop_unroll_factor = 4 : i64, sc.parallel_access}
      %lt3A_389 = arith.constant 31 : i32
      %lt3A_390 = arith.cmpi slt, %scan3A_197, %lt3A_389 : i32
      %convert_element_type3A_391 = arith.extui %lt3A_390 : i1 to i32
      %cond3A_392 = arith.constant 0 : i32
      %cond3A_393 = arith.cmpi ne, %convert_element_type3A_391, %cond3A_392 : i32
      scf.if %cond3A_393 {
        %add3A_404 = arith.constant 1 : i32
        %add3A_405 = arith.addi %add3A_198, %add3A_404 : i32
        %dma_start3A_406 = arith.constant 0 : i32
        %dma_start3A_407 = tpu.memref_slice %arg7[%dma_start3A_406] : memref<16384xf32, #tpu.memory_space<vmem>> -> memref<1024xf32, #tpu.memory_space<vmem>>
        %dma_start3A_408 = arith.constant 33792 : i32
        %dma_start3A_409 = tpu.memref_slice %arg2[%add3A_405, %dma_start3A_408] : memref<1024x65536xf32, #tpu.memory_space<hbm>> -> memref<1x1024xf32, #tpu.memory_space<hbm>>
        %dma_start3A_410 = tpu.memref_squeeze %dma_start3A_409 : memref<1x1024xf32, #tpu.memory_space<hbm>> -> memref<1024xf32, #tpu.memory_space<hbm>>
        %dma_start3A_411 = arith.constant 0 : i32
        %dma_start3A_412 = tpu.memref_slice %arg7[%dma_start3A_411] : memref<16384xf32, #tpu.memory_space<vmem>> -> memref<1024xf32, #tpu.memory_space<vmem>>
        %dma_start3A_413 = arith.constant 33792 : i32
        %dma_start3A_414 = tpu.memref_slice %arg2[%add3A_405, %dma_start3A_413] : memref<1024x65536xf32, #tpu.memory_space<hbm>> -> memref<1x1024xf32, #tpu.memory_space<hbm>>
        %dma_start3A_415 = tpu.memref_squeeze %dma_start3A_414 : memref<1x1024xf32, #tpu.memory_space<hbm>> -> memref<1024xf32, #tpu.memory_space<hbm>>
        tpu.enqueue_dma source(%dma_start3A_415 : memref<1024xf32, #tpu.memory_space<hbm>>) target(%dma_start3A_412 : memref<1024xf32, #tpu.memory_space<vmem>>) target_semaphore(%arg10 : memref<!tpu.dma_semaphore, #tpu.memory_space<semaphore_mem>>)
        %dma_start3A_416 = arith.constant 1024 : i32
        %dma_start3A_417 = tpu.memref_slice %arg7[%dma_start3A_416] : memref<16384xf32, #tpu.memory_space<vmem>> -> memref<1024xf32, #tpu.memory_space<vmem>>
        %dma_start3A_418 = arith.constant 35840 : i32
        %dma_start3A_419 = tpu.memref_slice %arg2[%add3A_405, %dma_start3A_418] : memref<1024x65536xf32, #tpu.memory_space<hbm>> -> memref<1x1024xf32, #tpu.memory_space<hbm>>
        %dma_start3A_420 = tpu.memref_squeeze %dma_start3A_419 : memref<1x1024xf32, #tpu.memory_space<hbm>> -> memref<1024xf32, #tpu.memory_space<hbm>>
        %dma_start3A_421 = arith.constant 1024 : i32
        %dma_start3A_422 = tpu.memref_slice %arg7[%dma_start3A_421] : memref<16384xf32, #tpu.memory_space<vmem>> -> memref<1024xf32, #tpu.memory_space<vmem>>
        %dma_start3A_423 = arith.constant 35840 : i32
        %dma_start3A_424 = tpu.memref_slice %arg2[%add3A_405, %dma_start3A_423] : memref<1024x65536xf32, #tpu.memory_space<hbm>> -> memref<1x1024xf32, #tpu.memory_space<hbm>>
        %dma_start3A_425 = tpu.memref_squeeze %dma_start3A_424 : memref<1x1024xf32, #tpu.memory_space<hbm>> -> memref<1024xf32, #tpu.memory_space<hbm>>
        tpu.enqueue_dma source(%dma_start3A_425 : memref<1024xf32, #tpu.memory_space<hbm>>) target(%dma_start3A_422 : memref<1024xf32, #tpu.memory_space<vmem>>) target_semaphore(%arg10 : memref<!tpu.dma_semaphore, #tpu.memory_space<semaphore_mem>>)
        %dma_start3A_426 = arith.constant 2048 : i32
        %dma_start3A_427 = tpu.memref_slice %arg7[%dma_start3A_426] : memref<16384xf32, #tpu.memory_space<vmem>> -> memref<1024xf32, #tpu.memory_space<vmem>>
        %dma_start3A_428 = arith.constant 37888 : i32
        %dma_start3A_429 = tpu.memref_slice %arg2[%add3A_405, %dma_start3A_428] : memref<1024x65536xf32, #tpu.memory_space<hbm>> -> memref<1x1024xf32, #tpu.memory_space<hbm>>
        %dma_start3A_430 = tpu.memref_squeeze %dma_start3A_429 : memref<1x1024xf32, #tpu.memory_space<hbm>> -> memref<1024xf32, #tpu.memory_space<hbm>>
        %dma_start3A_431 = arith.constant 2048 : i32
        %dma_start3A_432 = tpu.memref_slice %arg7[%dma_start3A_431] : memref<16384xf32, #tpu.memory_space<vmem>> -> memref<1024xf32, #tpu.memory_space<vmem>>
        %dma_start3A_433 = arith.constant 37888 : i32
        %dma_start3A_434 = tpu.memref_slice %arg2[%add3A_405, %dma_start3A_433] : memref<1024x65536xf32, #tpu.memory_space<hbm>> -> memref<1x1024xf32, #tpu.memory_space<hbm>>
        %dma_start3A_435 = tpu.memref_squeeze %dma_start3A_434 : memref<1x1024xf32, #tpu.memory_space<hbm>> -> memref<1024xf32, #tpu.memory_space<hbm>>
        tpu.enqueue_dma source(%dma_start3A_435 : memref<1024xf32, #tpu.memory_space<hbm>>) target(%dma_start3A_432 : memref<1024xf32, #tpu.memory_space<vmem>>) target_semaphore(%arg10 : memref<!tpu.dma_semaphore, #tpu.memory_space<semaphore_mem>>)
        %dma_start3A_436 = arith.constant 3072 : i32
        %dma_start3A_437 = tpu.memref_slice %arg7[%dma_start3A_436] : memref<16384xf32, #tpu.memory_space<vmem>> -> memref<1024xf32, #tpu.memory_space<vmem>>
        %dma_start3A_438 = arith.constant 39936 : i32
        %dma_start3A_439 = tpu.memref_slice %arg2[%add3A_405, %dma_start3A_438] : memref<1024x65536xf32, #tpu.memory_space<hbm>> -> memref<1x1024xf32, #tpu.memory_space<hbm>>
        %dma_start3A_440 = tpu.memref_squeeze %dma_start3A_439 : memref<1x1024xf32, #tpu.memory_space<hbm>> -> memref<1024xf32, #tpu.memory_space<hbm>>
        %dma_start3A_441 = arith.constant 3072 : i32
        %dma_start3A_442 = tpu.memref_slice %arg7[%dma_start3A_441] : memref<16384xf32, #tpu.memory_space<vmem>> -> memref<1024xf32, #tpu.memory_space<vmem>>
        %dma_start3A_443 = arith.constant 39936 : i32
        %dma_start3A_444 = tpu.memref_slice %arg2[%add3A_405, %dma_start3A_443] : memref<1024x65536xf32, #tpu.memory_space<hbm>> -> memref<1x1024xf32, #tpu.memory_space<hbm>>
        %dma_start3A_445 = tpu.memref_squeeze %dma_start3A_444 : memref<1x1024xf32, #tpu.memory_space<hbm>> -> memref<1024xf32, #tpu.memory_space<hbm>>
        tpu.enqueue_dma source(%dma_start3A_445 : memref<1024xf32, #tpu.memory_space<hbm>>) target(%dma_start3A_442 : memref<1024xf32, #tpu.memory_space<vmem>>) target_semaphore(%arg10 : memref<!tpu.dma_semaphore, #tpu.memory_space<semaphore_mem>>)
        %dma_start3A_446 = arith.constant 4096 : i32
        %dma_start3A_447 = tpu.memref_slice %arg7[%dma_start3A_446] : memref<16384xf32, #tpu.memory_space<vmem>> -> memref<1024xf32, #tpu.memory_space<vmem>>
        %dma_start3A_448 = arith.constant 41984 : i32
        %dma_start3A_449 = tpu.memref_slice %arg2[%add3A_405, %dma_start3A_448] : memref<1024x65536xf32, #tpu.memory_space<hbm>> -> memref<1x1024xf32, #tpu.memory_space<hbm>>
        %dma_start3A_450 = tpu.memref_squeeze %dma_start3A_449 : memref<1x1024xf32, #tpu.memory_space<hbm>> -> memref<1024xf32, #tpu.memory_space<hbm>>
        %dma_start3A_451 = arith.constant 4096 : i32
        %dma_start3A_452 = tpu.memref_slice %arg7[%dma_start3A_451] : memref<16384xf32, #tpu.memory_space<vmem>> -> memref<1024xf32, #tpu.memory_space<vmem>>
        %dma_start3A_453 = arith.constant 41984 : i32
        %dma_start3A_454 = tpu.memref_slice %arg2[%add3A_405, %dma_start3A_453] : memref<1024x65536xf32, #tpu.memory_space<hbm>> -> memref<1x1024xf32, #tpu.memory_space<hbm>>
        %dma_start3A_455 = tpu.memref_squeeze %dma_start3A_454 : memref<1x1024xf32, #tpu.memory_space<hbm>> -> memref<1024xf32, #tpu.memory_space<hbm>>
        tpu.enqueue_dma source(%dma_start3A_455 : memref<1024xf32, #tpu.memory_space<hbm>>) target(%dma_start3A_452 : memref<1024xf32, #tpu.memory_space<vmem>>) target_semaphore(%arg10 : memref<!tpu.dma_semaphore, #tpu.memory_space<semaphore_mem>>)
        %dma_start3A_456 = arith.constant 5120 : i32
        %dma_start3A_457 = tpu.memref_slice %arg7[%dma_start3A_456] : memref<16384xf32, #tpu.memory_space<vmem>> -> memref<1024xf32, #tpu.memory_space<vmem>>
        %dma_start3A_458 = arith.constant 44032 : i32
        %dma_start3A_459 = tpu.memref_slice %arg2[%add3A_405, %dma_start3A_458] : memref<1024x65536xf32, #tpu.memory_space<hbm>> -> memref<1x1024xf32, #tpu.memory_space<hbm>>
        %dma_start3A_460 = tpu.memref_squeeze %dma_start3A_459 : memref<1x1024xf32, #tpu.memory_space<hbm>> -> memref<1024xf32, #tpu.memory_space<hbm>>
        %dma_start3A_461 = arith.constant 5120 : i32
        %dma_start3A_462 = tpu.memref_slice %arg7[%dma_start3A_461] : memref<16384xf32, #tpu.memory_space<vmem>> -> memref<1024xf32, #tpu.memory_space<vmem>>
        %dma_start3A_463 = arith.constant 44032 : i32
        %dma_start3A_464 = tpu.memref_slice %arg2[%add3A_405, %dma_start3A_463] : memref<1024x65536xf32, #tpu.memory_space<hbm>> -> memref<1x1024xf32, #tpu.memory_space<hbm>>
        %dma_start3A_465 = tpu.memref_squeeze %dma_start3A_464 : memref<1x1024xf32, #tpu.memory_space<hbm>> -> memref<1024xf32, #tpu.memory_space<hbm>>
        tpu.enqueue_dma source(%dma_start3A_465 : memref<1024xf32, #tpu.memory_space<hbm>>) target(%dma_start3A_462 : memref<1024xf32, #tpu.memory_space<vmem>>) target_semaphore(%arg10 : memref<!tpu.dma_semaphore, #tpu.memory_space<semaphore_mem>>)
        %dma_start3A_466 = arith.constant 6144 : i32
        %dma_start3A_467 = tpu.memref_slice %arg7[%dma_start3A_466] : memref<16384xf32, #tpu.memory_space<vmem>> -> memref<1024xf32, #tpu.memory_space<vmem>>
        %dma_start3A_468 = arith.constant 46080 : i32
        %dma_start3A_469 = tpu.memref_slice %arg2[%add3A_405, %dma_start3A_468] : memref<1024x65536xf32, #tpu.memory_space<hbm>> -> memref<1x1024xf32, #tpu.memory_space<hbm>>
        %dma_start3A_470 = tpu.memref_squeeze %dma_start3A_469 : memref<1x1024xf32, #tpu.memory_space<hbm>> -> memref<1024xf32, #tpu.memory_space<hbm>>
        %dma_start3A_471 = arith.constant 6144 : i32
        %dma_start3A_472 = tpu.memref_slice %arg7[%dma_start3A_471] : memref<16384xf32, #tpu.memory_space<vmem>> -> memref<1024xf32, #tpu.memory_space<vmem>>
        %dma_start3A_473 = arith.constant 46080 : i32
        %dma_start3A_474 = tpu.memref_slice %arg2[%add3A_405, %dma_start3A_473] : memref<1024x65536xf32, #tpu.memory_space<hbm>> -> memref<1x1024xf32, #tpu.memory_space<hbm>>
        %dma_start3A_475 = tpu.memref_squeeze %dma_start3A_474 : memref<1x1024xf32, #tpu.memory_space<hbm>> -> memref<1024xf32, #tpu.memory_space<hbm>>
        tpu.enqueue_dma source(%dma_start3A_475 : memref<1024xf32, #tpu.memory_space<hbm>>) target(%dma_start3A_472 : memref<1024xf32, #tpu.memory_space<vmem>>) target_semaphore(%arg10 : memref<!tpu.dma_semaphore, #tpu.memory_space<semaphore_mem>>)
        %dma_start3A_476 = arith.constant 7168 : i32
        %dma_start3A_477 = tpu.memref_slice %arg7[%dma_start3A_476] : memref<16384xf32, #tpu.memory_space<vmem>> -> memref<1024xf32, #tpu.memory_space<vmem>>
        %dma_start3A_478 = arith.constant 48128 : i32
        %dma_start3A_479 = tpu.memref_slice %arg2[%add3A_405, %dma_start3A_478] : memref<1024x65536xf32, #tpu.memory_space<hbm>> -> memref<1x1024xf32, #tpu.memory_space<hbm>>
        %dma_start3A_480 = tpu.memref_squeeze %dma_start3A_479 : memref<1x1024xf32, #tpu.memory_space<hbm>> -> memref<1024xf32, #tpu.memory_space<hbm>>
        %dma_start3A_481 = arith.constant 7168 : i32
        %dma_start3A_482 = tpu.memref_slice %arg7[%dma_start3A_481] : memref<16384xf32, #tpu.memory_space<vmem>> -> memref<1024xf32, #tpu.memory_space<vmem>>
        %dma_start3A_483 = arith.constant 48128 : i32
        %dma_start3A_484 = tpu.memref_slice %arg2[%add3A_405, %dma_start3A_483] : memref<1024x65536xf32, #tpu.memory_space<hbm>> -> memref<1x1024xf32, #tpu.memory_space<hbm>>
        %dma_start3A_485 = tpu.memref_squeeze %dma_start3A_484 : memref<1x1024xf32, #tpu.memory_space<hbm>> -> memref<1024xf32, #tpu.memory_space<hbm>>
        tpu.enqueue_dma source(%dma_start3A_485 : memref<1024xf32, #tpu.memory_space<hbm>>) target(%dma_start3A_482 : memref<1024xf32, #tpu.memory_space<vmem>>) target_semaphore(%arg10 : memref<!tpu.dma_semaphore, #tpu.memory_space<semaphore_mem>>)
        %dma_start3A_486 = arith.constant 8192 : i32
        %dma_start3A_487 = tpu.memref_slice %arg7[%dma_start3A_486] : memref<16384xf32, #tpu.memory_space<vmem>> -> memref<1024xf32, #tpu.memory_space<vmem>>
        %dma_start3A_488 = arith.constant 50176 : i32
        %dma_start3A_489 = tpu.memref_slice %arg2[%add3A_405, %dma_start3A_488] : memref<1024x65536xf32, #tpu.memory_space<hbm>> -> memref<1x1024xf32, #tpu.memory_space<hbm>>
        %dma_start3A_490 = tpu.memref_squeeze %dma_start3A_489 : memref<1x1024xf32, #tpu.memory_space<hbm>> -> memref<1024xf32, #tpu.memory_space<hbm>>
        %dma_start3A_491 = arith.constant 8192 : i32
        %dma_start3A_492 = tpu.memref_slice %arg7[%dma_start3A_491] : memref<16384xf32, #tpu.memory_space<vmem>> -> memref<1024xf32, #tpu.memory_space<vmem>>
        %dma_start3A_493 = arith.constant 50176 : i32
        %dma_start3A_494 = tpu.memref_slice %arg2[%add3A_405, %dma_start3A_493] : memref<1024x65536xf32, #tpu.memory_space<hbm>> -> memref<1x1024xf32, #tpu.memory_space<hbm>>
        %dma_start3A_495 = tpu.memref_squeeze %dma_start3A_494 : memref<1x1024xf32, #tpu.memory_space<hbm>> -> memref<1024xf32, #tpu.memory_space<hbm>>
        tpu.enqueue_dma source(%dma_start3A_495 : memref<1024xf32, #tpu.memory_space<hbm>>) target(%dma_start3A_492 : memref<1024xf32, #tpu.memory_space<vmem>>) target_semaphore(%arg10 : memref<!tpu.dma_semaphore, #tpu.memory_space<semaphore_mem>>)
        %dma_start3A_496 = arith.constant 9216 : i32
        %dma_start3A_497 = tpu.memref_slice %arg7[%dma_start3A_496] : memref<16384xf32, #tpu.memory_space<vmem>> -> memref<1024xf32, #tpu.memory_space<vmem>>
        %dma_start3A_498 = arith.constant 52224 : i32
        %dma_start3A_499 = tpu.memref_slice %arg2[%add3A_405, %dma_start3A_498] : memref<1024x65536xf32, #tpu.memory_space<hbm>> -> memref<1x1024xf32, #tpu.memory_space<hbm>>
        %dma_start3A_500 = tpu.memref_squeeze %dma_start3A_499 : memref<1x1024xf32, #tpu.memory_space<hbm>> -> memref<1024xf32, #tpu.memory_space<hbm>>
        %dma_start3A_501 = arith.constant 9216 : i32
        %dma_start3A_502 = tpu.memref_slice %arg7[%dma_start3A_501] : memref<16384xf32, #tpu.memory_space<vmem>> -> memref<1024xf32, #tpu.memory_space<vmem>>
        %dma_start3A_503 = arith.constant 52224 : i32
        %dma_start3A_504 = tpu.memref_slice %arg2[%add3A_405, %dma_start3A_503] : memref<1024x65536xf32, #tpu.memory_space<hbm>> -> memref<1x1024xf32, #tpu.memory_space<hbm>>
        %dma_start3A_505 = tpu.memref_squeeze %dma_start3A_504 : memref<1x1024xf32, #tpu.memory_space<hbm>> -> memref<1024xf32, #tpu.memory_space<hbm>>
        tpu.enqueue_dma source(%dma_start3A_505 : memref<1024xf32, #tpu.memory_space<hbm>>) target(%dma_start3A_502 : memref<1024xf32, #tpu.memory_space<vmem>>) target_semaphore(%arg10 : memref<!tpu.dma_semaphore, #tpu.memory_space<semaphore_mem>>)
        %dma_start3A_506 = arith.constant 10240 : i32
        %dma_start3A_507 = tpu.memref_slice %arg7[%dma_start3A_506] : memref<16384xf32, #tpu.memory_space<vmem>> -> memref<1024xf32, #tpu.memory_space<vmem>>
        %dma_start3A_508 = arith.constant 54272 : i32
        %dma_start3A_509 = tpu.memref_slice %arg2[%add3A_405, %dma_start3A_508] : memref<1024x65536xf32, #tpu.memory_space<hbm>> -> memref<1x1024xf32, #tpu.memory_space<hbm>>
        %dma_start3A_510 = tpu.memref_squeeze %dma_start3A_509 : memref<1x1024xf32, #tpu.memory_space<hbm>> -> memref<1024xf32, #tpu.memory_space<hbm>>
        %dma_start3A_511 = arith.constant 10240 : i32
        %dma_start3A_512 = tpu.memref_slice %arg7[%dma_start3A_511] : memref<16384xf32, #tpu.memory_space<vmem>> -> memref<1024xf32, #tpu.memory_space<vmem>>
        %dma_start3A_513 = arith.constant 54272 : i32
        %dma_start3A_514 = tpu.memref_slice %arg2[%add3A_405, %dma_start3A_513] : memref<1024x65536xf32, #tpu.memory_space<hbm>> -> memref<1x1024xf32, #tpu.memory_space<hbm>>
        %dma_start3A_515 = tpu.memref_squeeze %dma_start3A_514 : memref<1x1024xf32, #tpu.memory_space<hbm>> -> memref<1024xf32, #tpu.memory_space<hbm>>
        tpu.enqueue_dma source(%dma_start3A_515 : memref<1024xf32, #tpu.memory_space<hbm>>) target(%dma_start3A_512 : memref<1024xf32, #tpu.memory_space<vmem>>) target_semaphore(%arg10 : memref<!tpu.dma_semaphore, #tpu.memory_space<semaphore_mem>>)
        %dma_start3A_516 = arith.constant 11264 : i32
        %dma_start3A_517 = tpu.memref_slice %arg7[%dma_start3A_516] : memref<16384xf32, #tpu.memory_space<vmem>> -> memref<1024xf32, #tpu.memory_space<vmem>>
        %dma_start3A_518 = arith.constant 56320 : i32
        %dma_start3A_519 = tpu.memref_slice %arg2[%add3A_405, %dma_start3A_518] : memref<1024x65536xf32, #tpu.memory_space<hbm>> -> memref<1x1024xf32, #tpu.memory_space<hbm>>
        %dma_start3A_520 = tpu.memref_squeeze %dma_start3A_519 : memref<1x1024xf32, #tpu.memory_space<hbm>> -> memref<1024xf32, #tpu.memory_space<hbm>>
        %dma_start3A_521 = arith.constant 11264 : i32
        %dma_start3A_522 = tpu.memref_slice %arg7[%dma_start3A_521] : memref<16384xf32, #tpu.memory_space<vmem>> -> memref<1024xf32, #tpu.memory_space<vmem>>
        %dma_start3A_523 = arith.constant 56320 : i32
        %dma_start3A_524 = tpu.memref_slice %arg2[%add3A_405, %dma_start3A_523] : memref<1024x65536xf32, #tpu.memory_space<hbm>> -> memref<1x1024xf32, #tpu.memory_space<hbm>>
        %dma_start3A_525 = tpu.memref_squeeze %dma_start3A_524 : memref<1x1024xf32, #tpu.memory_space<hbm>> -> memref<1024xf32, #tpu.memory_space<hbm>>
        tpu.enqueue_dma source(%dma_start3A_525 : memref<1024xf32, #tpu.memory_space<hbm>>) target(%dma_start3A_522 : memref<1024xf32, #tpu.memory_space<vmem>>) target_semaphore(%arg10 : memref<!tpu.dma_semaphore, #tpu.memory_space<semaphore_mem>>)
        %dma_start3A_526 = arith.constant 12288 : i32
        %dma_start3A_527 = tpu.memref_slice %arg7[%dma_start3A_526] : memref<16384xf32, #tpu.memory_space<vmem>> -> memref<1024xf32, #tpu.memory_space<vmem>>
        %dma_start3A_528 = arith.constant 58368 : i32
        %dma_start3A_529 = tpu.memref_slice %arg2[%add3A_405, %dma_start3A_528] : memref<1024x65536xf32, #tpu.memory_space<hbm>> -> memref<1x1024xf32, #tpu.memory_space<hbm>>
        %dma_start3A_530 = tpu.memref_squeeze %dma_start3A_529 : memref<1x1024xf32, #tpu.memory_space<hbm>> -> memref<1024xf32, #tpu.memory_space<hbm>>
        %dma_start3A_531 = arith.constant 12288 : i32
        %dma_start3A_532 = tpu.memref_slice %arg7[%dma_start3A_531] : memref<16384xf32, #tpu.memory_space<vmem>> -> memref<1024xf32, #tpu.memory_space<vmem>>
        %dma_start3A_533 = arith.constant 58368 : i32
        %dma_start3A_534 = tpu.memref_slice %arg2[%add3A_405, %dma_start3A_533] : memref<1024x65536xf32, #tpu.memory_space<hbm>> -> memref<1x1024xf32, #tpu.memory_space<hbm>>
        %dma_start3A_535 = tpu.memref_squeeze %dma_start3A_534 : memref<1x1024xf32, #tpu.memory_space<hbm>> -> memref<1024xf32, #tpu.memory_space<hbm>>
        tpu.enqueue_dma source(%dma_start3A_535 : memref<1024xf32, #tpu.memory_space<hbm>>) target(%dma_start3A_532 : memref<1024xf32, #tpu.memory_space<vmem>>) target_semaphore(%arg10 : memref<!tpu.dma_semaphore, #tpu.memory_space<semaphore_mem>>)
        %dma_start3A_536 = arith.constant 13312 : i32
        %dma_start3A_537 = tpu.memref_slice %arg7[%dma_start3A_536] : memref<16384xf32, #tpu.memory_space<vmem>> -> memref<1024xf32, #tpu.memory_space<vmem>>
        %dma_start3A_538 = arith.constant 60416 : i32
        %dma_start3A_539 = tpu.memref_slice %arg2[%add3A_405, %dma_start3A_538] : memref<1024x65536xf32, #tpu.memory_space<hbm>> -> memref<1x1024xf32, #tpu.memory_space<hbm>>
        %dma_start3A_540 = tpu.memref_squeeze %dma_start3A_539 : memref<1x1024xf32, #tpu.memory_space<hbm>> -> memref<1024xf32, #tpu.memory_space<hbm>>
        %dma_start3A_541 = arith.constant 13312 : i32
        %dma_start3A_542 = tpu.memref_slice %arg7[%dma_start3A_541] : memref<16384xf32, #tpu.memory_space<vmem>> -> memref<1024xf32, #tpu.memory_space<vmem>>
        %dma_start3A_543 = arith.constant 60416 : i32
        %dma_start3A_544 = tpu.memref_slice %arg2[%add3A_405, %dma_start3A_543] : memref<1024x65536xf32, #tpu.memory_space<hbm>> -> memref<1x1024xf32, #tpu.memory_space<hbm>>
        %dma_start3A_545 = tpu.memref_squeeze %dma_start3A_544 : memref<1x1024xf32, #tpu.memory_space<hbm>> -> memref<1024xf32, #tpu.memory_space<hbm>>
        tpu.enqueue_dma source(%dma_start3A_545 : memref<1024xf32, #tpu.memory_space<hbm>>) target(%dma_start3A_542 : memref<1024xf32, #tpu.memory_space<vmem>>) target_semaphore(%arg10 : memref<!tpu.dma_semaphore, #tpu.memory_space<semaphore_mem>>)
        %dma_start3A_546 = arith.constant 14336 : i32
        %dma_start3A_547 = tpu.memref_slice %arg7[%dma_start3A_546] : memref<16384xf32, #tpu.memory_space<vmem>> -> memref<1024xf32, #tpu.memory_space<vmem>>
        %dma_start3A_548 = arith.constant 62464 : i32
        %dma_start3A_549 = tpu.memref_slice %arg2[%add3A_405, %dma_start3A_548] : memref<1024x65536xf32, #tpu.memory_space<hbm>> -> memref<1x1024xf32, #tpu.memory_space<hbm>>
        %dma_start3A_550 = tpu.memref_squeeze %dma_start3A_549 : memref<1x1024xf32, #tpu.memory_space<hbm>> -> memref<1024xf32, #tpu.memory_space<hbm>>
        %dma_start3A_551 = arith.constant 14336 : i32
        %dma_start3A_552 = tpu.memref_slice %arg7[%dma_start3A_551] : memref<16384xf32, #tpu.memory_space<vmem>> -> memref<1024xf32, #tpu.memory_space<vmem>>
        %dma_start3A_553 = arith.constant 62464 : i32
        %dma_start3A_554 = tpu.memref_slice %arg2[%add3A_405, %dma_start3A_553] : memref<1024x65536xf32, #tpu.memory_space<hbm>> -> memref<1x1024xf32, #tpu.memory_space<hbm>>
        %dma_start3A_555 = tpu.memref_squeeze %dma_start3A_554 : memref<1x1024xf32, #tpu.memory_space<hbm>> -> memref<1024xf32, #tpu.memory_space<hbm>>
        tpu.enqueue_dma source(%dma_start3A_555 : memref<1024xf32, #tpu.memory_space<hbm>>) target(%dma_start3A_552 : memref<1024xf32, #tpu.memory_space<vmem>>) target_semaphore(%arg10 : memref<!tpu.dma_semaphore, #tpu.memory_space<semaphore_mem>>)
        %dma_start3A_556 = arith.constant 15360 : i32
        %dma_start3A_557 = tpu.memref_slice %arg7[%dma_start3A_556] : memref<16384xf32, #tpu.memory_space<vmem>> -> memref<1024xf32, #tpu.memory_space<vmem>>
        %dma_start3A_558 = arith.constant 64512 : i32
        %dma_start3A_559 = tpu.memref_slice %arg2[%add3A_405, %dma_start3A_558] : memref<1024x65536xf32, #tpu.memory_space<hbm>> -> memref<1x1024xf32, #tpu.memory_space<hbm>>
        %dma_start3A_560 = tpu.memref_squeeze %dma_start3A_559 : memref<1x1024xf32, #tpu.memory_space<hbm>> -> memref<1024xf32, #tpu.memory_space<hbm>>
        %dma_start3A_561 = arith.constant 15360 : i32
        %dma_start3A_562 = tpu.memref_slice %arg7[%dma_start3A_561] : memref<16384xf32, #tpu.memory_space<vmem>> -> memref<1024xf32, #tpu.memory_space<vmem>>
        %dma_start3A_563 = arith.constant 64512 : i32
        %dma_start3A_564 = tpu.memref_slice %arg2[%add3A_405, %dma_start3A_563] : memref<1024x65536xf32, #tpu.memory_space<hbm>> -> memref<1x1024xf32, #tpu.memory_space<hbm>>
        %dma_start3A_565 = tpu.memref_squeeze %dma_start3A_564 : memref<1x1024xf32, #tpu.memory_space<hbm>> -> memref<1024xf32, #tpu.memory_space<hbm>>
        tpu.enqueue_dma source(%dma_start3A_565 : memref<1024xf32, #tpu.memory_space<hbm>>) target(%dma_start3A_562 : memref<1024xf32, #tpu.memory_space<vmem>>) target_semaphore(%arg10 : memref<!tpu.dma_semaphore, #tpu.memory_space<semaphore_mem>>)
      } else {
      }
      %mul3A_394 = arith.constant 32896 : i32
      %mul3A_395 = arith.muli %add3A_198, %mul3A_394 : i32
      %add3A_396 = arith.constant 24640 : i32
      %add3A_397 = arith.addi %mul3A_395, %add3A_396 : i32
      %dma_start3A_398 = arith.constant 24640 : i32
      %dma_start3A_399 = tpu.memref_slice %arg8[%dma_start3A_398] : memref<32896xf32, #tpu.memory_space<vmem>> -> memref<8256xf32, #tpu.memory_space<vmem>>
      %dma_start3A_400 = tpu.memref_slice %arg4[%add3A_397] : memref<33685504xf32, #tpu.memory_space<hbm>> -> memref<8256xf32, #tpu.memory_space<hbm>>
      %dma_start3A_401 = tpu.memref_slice %arg4[%add3A_397] : memref<33685504xf32, #tpu.memory_space<hbm>> -> memref<8256xf32, #tpu.memory_space<hbm>>
      %dma_start3A_402 = arith.constant 24640 : i32
      %dma_start3A_403 = tpu.memref_slice %arg8[%dma_start3A_402] : memref<32896xf32, #tpu.memory_space<vmem>> -> memref<8256xf32, #tpu.memory_space<vmem>>
      tpu.enqueue_dma source(%dma_start3A_403 : memref<8256xf32, #tpu.memory_space<vmem>>) target(%dma_start3A_401 : memref<8256xf32, #tpu.memory_space<hbm>>) target_semaphore(%arg12 : memref<!tpu.dma_semaphore, #tpu.memory_space<semaphore_mem>>)
    }
    %scan3A_172 = arith.constant 32 : i32
    %add3A_173 = arith.constant 32 : i32
    %add3A_174 = arith.addi %mul3A_2, %add3A_173 : i32
    %sub3A = arith.constant 1 : i32
    %sub3A_175 = arith.subi %add3A_174, %sub3A : i32
    %mul3A_176 = arith.constant 32896 : i32
    %mul3A_177 = arith.muli %sub3A_175, %mul3A_176 : i32
    %dma_wait3A = arith.constant 0 : i32
    %dma_wait3A_178 = tpu.memref_slice %arg8[%dma_wait3A] : memref<32896xf32, #tpu.memory_space<vmem>> -> memref<24640xf32, #tpu.memory_space<vmem>>
    %dma_wait3A_179 = tpu.memref_slice %arg4[%mul3A_177] : memref<33685504xf32, #tpu.memory_space<hbm>> -> memref<24640xf32, #tpu.memory_space<hbm>>
    %dma_wait3A_180 = tpu.memref_slice %arg4[%mul3A_177] : memref<33685504xf32, #tpu.memory_space<hbm>> -> memref<24640xf32, #tpu.memory_space<hbm>>
    %dma_wait3A_181 = arith.constant 0 : i32
    %dma_wait3A_182 = tpu.memref_slice %arg8[%dma_wait3A_181] : memref<32896xf32, #tpu.memory_space<vmem>> -> memref<24640xf32, #tpu.memory_space<vmem>>
    tpu.wait_dma2 semaphore(%arg11 : memref<!tpu.dma_semaphore, #tpu.memory_space<semaphore_mem>>) src(%dma_wait3A_182 : memref<24640xf32, #tpu.memory_space<vmem>>) dst(%dma_wait3A_180 : memref<24640xf32, #tpu.memory_space<hbm>>)
    %add3A_183 = arith.constant 32 : i32
    %add3A_184 = arith.addi %mul3A_2, %add3A_183 : i32
    %sub3A_185 = arith.constant 1 : i32
    %sub3A_186 = arith.subi %add3A_184, %sub3A_185 : i32
    %mul3A_187 = arith.constant 32896 : i32
    %mul3A_188 = arith.muli %sub3A_186, %mul3A_187 : i32
    %add3A_189 = arith.constant 24640 : i32
    %add3A_190 = arith.addi %mul3A_188, %add3A_189 : i32
    %dma_wait3A_191 = arith.constant 24640 : i32
    %dma_wait3A_192 = tpu.memref_slice %arg8[%dma_wait3A_191] : memref<32896xf32, #tpu.memory_space<vmem>> -> memref<8256xf32, #tpu.memory_space<vmem>>
    %dma_wait3A_193 = tpu.memref_slice %arg4[%add3A_190] : memref<33685504xf32, #tpu.memory_space<hbm>> -> memref<8256xf32, #tpu.memory_space<hbm>>
    %dma_wait3A_194 = tpu.memref_slice %arg4[%add3A_190] : memref<33685504xf32, #tpu.memory_space<hbm>> -> memref<8256xf32, #tpu.memory_space<hbm>>
    %dma_wait3A_195 = arith.constant 24640 : i32
    %dma_wait3A_196 = tpu.memref_slice %arg8[%dma_wait3A_195] : memref<32896xf32, #tpu.memory_space<vmem>> -> memref<8256xf32, #tpu.memory_space<vmem>>
    tpu.wait_dma2 semaphore(%arg12 : memref<!tpu.dma_semaphore, #tpu.memory_space<semaphore_mem>>) src(%dma_wait3A_196 : memref<8256xf32, #tpu.memory_space<vmem>>) dst(%dma_wait3A_194 : memref<8256xf32, #tpu.memory_space<hbm>>)
    return
  }
}

</mosaic_0001>

<sc_bundles>
// kernel: _tritovec.3.cloned.1.call-start
scs
__scs_entry_jumppad:
0x0: {  	(pc) =	sbr.rel $0x88, $3  }
0x1: {  	(tag) =	ssettag $0x0;
	lr =	simm.s32 $0x1  }
0x2: {  	[smem:$0x3F9F] =	sst lr;
	_ =	strace $0xD0000000  }
0x3: {  	_ = 	snop  }
0x4: {  	_ = 	snop  }
0x5: {  	_ = 	snop  }
0x6: {  	_ = 	snop  }
0x7: {  	_ = 	snop  }
__scs_overlays_trampoline_lowered:
0x8: {  	[smem:$0x3FAE] =	sst s0  }
0x9: {  	[smem:$0x3FAF] =	sst s1  }
0xa: {  	[smem:$0x3FB0] =	sst s2  }
0xb: {  	[smem:$0x3FB1] =	sst s3  }
0xc: {  	[smem:$0x3FB2] =	sst s4  }
0xd: {  	[smem:$0x3FB3] =	sst s5  }
0xe: {  	[smem:$0x3FB4] =	sst s6  }
0xf: {  	[smem:$0x3FB5] =	sst s7  }
0x10: {  	[smem:$0x3FB6] =	sst s8  }
0x11: {  	[smem:$0x3FB7] =	sst s9;
	s0 =	simm.s32 @!p0 $0x0  }
0x12: {  	s1 =	sld [smem:$0x3F9D];
	s0 =	simm.s32 @p0 $0x1  }
0x13: {  	[smem:$0x3FB8] =	sst s0;
	s0 =	simm.s32 @!p1 $0x0  }
0x14: {  	s2 =	sld [smem:$0x3F9C];
	s0 =	simm.s32 @p1 $0x1  }
0x15: {  	[smem:$0x3FB9] =	sst s0;
	s0 =	simm.s32 @!p2 $0x0  }
0x16: {  	s3 =	sld [smem:$0x3FDB];
	s0 =	simm.s32 @p2 $0x1  }
0x17: {  	s4 =	simm.s32 $0x1BF5;
	[smem:$0x3FBB] =	sst s0  }
0x18: {  	s0 =	sld [smem:$0x3F9E];
	_ =	swait.ge [sflag:s4], $0x0  }
0x19: {  	s7 =	sld [smem:$0x3F9F]  }
0x1a: {  	s8 =	sadd.s32 $0xFFFFE003, lr  }
0x1b: {  	s9 =	sadd.s32 $0xFFFFFEF7, lr;
	s5 =	simm.s32 $0xFFFFFFFF;
	p2 =	slt.u32 s8, $0xFFFFF086  }
0x1c: {  	p1 =	slt.u32 s9, $0xF7A;
	s5 =	simm.s32 @!p2 $0x0  }
0x1d: {  	s5 =	simm.s32 @p1 $0x1;
	p0 =	seq.s32 s7, s2  }
0x1e: {  	s7 =	smul.u32 @!p0 $0xF7A, s2;
	p2 =	seq.s32 @!p0 s5, $0x0  }
0x1f: {  	s9 =	smul.u32 $0xF7A, s1;
	s8 =	simm.s32 @!p0 $0x1BF5;
	p2 =	por !p2, p0  }
0x20: {  	[sflag:s8] =	ssyncset.s32 @!p0 $0xFFFFF086;
	s6 =	sadd.s32 @!p0 s3, s7;
	s7 =	simm.s32 @!p0 $0x108  }
0x21: {  	s3 =	sadd.s32 s3, s9;
	s6 =	sadd.s32 @!p0 $0x88, s6;
	s7 =	simm.s32 @p2 $0x1082  }
0x22: {  	[simem:s7], [sflag:s8] =	dma.local @!p0 [hbm:s6], $0xF7A  }
0x23: {  	s9 =	sor.u32 $0xD0000000, s2;
	s6 =	simm.s32 $0x108;
	_ =	swait.ge @!p0 [sflag:s8], $0x0  }
0x24: {  	s3 =	sadd.s32 $0x88, s3;
	s6 =	simm.s32 @!p1 $0x1082;
	[sflag:s4] =	ssyncset.s32 $0xFFFFF086  }
0x25: {  	[simem:s6], [sflag:s4] =	dma.local [hbm:s3], $0xF7A  }
0x26: {  	[smem:$0x3F9F] =	sst s1;
	(tag) =	ssettag s2;
	_ =	strace s9  }
0x27: {  	s1 =	sld [smem:$0x3FAF]  }
0x28: {  	s2 =	sld [smem:$0x3FB0]  }
0x29: {  	s4 =	sld [smem:$0x3FB2]  }
0x2a: {  	p0 =	seq.s32 s5, $0x0;
	s5 =	sld [smem:$0x3FB3]  }
0x2b: {  	s6 =	sld [smem:$0x3FB4]  }
0x2c: {  	s7 =	sld [smem:$0x3FB5]  }
0x2d: {  	s3 =	simm.s32 $0x108;
	s8 =	sld [smem:$0x3FB6]  }
0x2e: {  	s3 =	simm.s32 @!p0 $0x1082;
	s9 =	sld [smem:$0x3FB7]  }
0x2f: {  	lr =	sadd.s32 s0, s3;
	s0 =	sld [smem:$0x3FAE]  }
0x30: {  	s3 =	sld [smem:$0x3FB1]  }
0x31: {  	[smem:$0x3FBA] =	sst s10  }
0x32: {  	s10 =	sld [smem:$0x3FB8];
	_ =	sdelay $0x3  }
0x33: {  	p0 =	seq.s32 s10, $0x1;
	s10 =	sld [smem:$0x3FBA];
	_ =	sdelay $0x3  }
0x34: {  	[smem:$0x3FBA] =	sst s10  }
0x35: {  	s10 =	sld [smem:$0x3FB9];
	_ =	sdelay $0x3  }
0x36: {  	p1 =	seq.s32 s10, $0x1;
	s10 =	sld [smem:$0x3FBA];
	_ =	sdelay $0x3  }
0x37: {  	[smem:$0x3FBA] =	sst s10  }
0x38: {  	s10 =	sld [smem:$0x3FBB]  }
0x39: {  	_ = 	snop;
	(pc) =	sbr.ind lr, $3  }
0x3a: {  	_ = 	snop  }
0x3b: {  	_ = 	snop  }
0x3c: {  	p2 =	seq.s32 s10, $0x1;
	s10 =	sld [smem:$0x3FBA]  }
0x3d: {  	_ =	shalt  }
0x3e: {  	_ =	shalt  }
0x3f: {  	_ =	shalt  }
0x40: {  	_ =	shalt  }
0x41: {  	_ =	shalt  }
0x42: {  	_ =	shalt  }
0x43: {  	_ =	shalt  }
0x44: {  	_ =	shalt  }
0x45: {  	_ =	shalt  }
0x46: {  	_ =	shalt  }
0x47: {  	_ =	shalt  }
0x48: {  	_ =	shalt  }
0x49: {  	_ =	shalt  }
0x4a: {  	_ =	shalt  }
0x4b: {  	_ =	shalt  }
0x4c: {  	_ =	shalt  }
0x4d: {  	_ =	shalt  }
0x4e: {  	_ =	shalt  }
0x4f: {  	_ =	shalt  }
0x50: {  	_ =	shalt  }
0x51: {  	_ =	shalt  }
0x52: {  	_ =	shalt  }
0x53: {  	_ =	shalt  }
0x54: {  	_ =	shalt  }
0x55: {  	_ =	shalt  }
0x56: {  	_ =	shalt  }
0x57: {  	_ =	shalt  }
0x58: {  	_ =	shalt  }
0x59: {  	_ =	shalt  }
0x5a: {  	_ =	shalt  }
0x5b: {  	_ =	shalt  }
0x5c: {  	_ =	shalt  }
0x5d: {  	_ =	shalt  }
0x5e: {  	_ =	shalt  }
0x5f: {  	_ =	shalt  }
0x60: {  	_ =	shalt  }
0x61: {  	_ =	shalt  }
0x62: {  	_ =	shalt  }
0x63: {  	_ =	shalt  }
0x64: {  	_ =	shalt  }
0x65: {  	_ =	shalt  }
0x66: {  	_ =	shalt  }
0x67: {  	_ =	shalt  }
0x68: {  	_ =	shalt  }
0x69: {  	_ =	shalt  }
0x6a: {  	_ =	shalt  }
0x6b: {  	_ =	shalt  }
0x6c: {  	_ =	shalt  }
0x6d: {  	_ =	shalt  }
0x6e: {  	_ =	shalt  }
0x6f: {  	_ =	shalt  }
0x70: {  	_ =	shalt  }
0x71: {  	_ =	shalt  }
0x72: {  	_ =	shalt  }
0x73: {  	_ =	shalt  }
0x74: {  	_ =	shalt  }
0x75: {  	_ =	shalt  }
0x76: {  	_ =	shalt  }
0x77: {  	_ =	shalt  }
0x78: {  	_ =	shalt  }
0x79: {  	_ =	shalt  }
0x7a: {  	_ =	shalt  }
0x7b: {  	_ =	shalt  }
0x7c: {  	_ =	shalt  }
0x7d: {  	_ =	shalt  }
0x7e: {  	_ =	shalt  }
0x7f: {  	_ =	shalt  }
0x80: {  	_ =	shalt  }
0x81: {  	_ =	shalt  }
0x82: {  	_ =	shalt  }
0x83: {  	_ =	shalt  }
0x84: {  	_ =	shalt  }
0x85: {  	_ =	shalt  }
0x86: {  	_ =	shalt  }
0x87: {  	_ =	shalt  }
.Lfunc_end0:
.L_simem_size_0:
called_computation.1_lowered:
.L_overlay_start_0:
0x88: {  	s2 =	sld [smem:$0x3FD9]  }
0x89: {  	s3 =	sld [smem:$0x3FFE];
	_ =	sdelay $0x1  }
0x8a: {  	s1 =	srdreg.scid  }
0x8b: {  	s0 =	sand.u32 $0x1, s1  }
0x8c: {  	s17 =	sshll.u32 s0, $0xA;
	s2 =	sadd.s32 s3, s2  }
0x8d: {  	s2 =	sadd.s32 s2, s17  }
0x8e: {  	[smem:$0x3FC6] =	sst s2  }
0x8f: {  	_ = 	snop  }
0x90: {  	s2 =	sld [smem:$0x3FC8]  }
0x91: {  	s18 =	sld [smem:$0x3FD0];
	(tm) =	ssettm $0x1  }
0x92: {  	s4 =	sld [smem:$0x3FFB];
	_ =	sdelay $0x3  }
0x93: {  	_ =	strace s4  }
0x94: {  	s4 =	sld [smem:$0x3FFC];
	_ =	sdelay $0x3  }
0x95: {  	_ =	strace s4  }
0x96: {  	s4 =	sld [smem:$0x3FFD];
	_ =	sdelay $0x3  }
0x97: {  	_ =	strace s4  }
0x98: {  	_ =	strace $0x8FFFFFFF  }
0x99: {  	s19 =	sld [smem:$0x3FDB];
	_ =	sdelay $0x1  }
0x9a: {  	s5 =	simm.s32 $_scs_section_size  }
0x9b: {  	s6 =	simm.s32 $_size__tile_overlayer_lowered;
	s7 =	simm.s32 $_tile_overlayer_lowered  }
0x9c: {  	s22 =	simm.s32 $0x1BFF;
	s21 =	sshll.u32 s7, $0x1;
	s4 =	sadd.s32 s5, s19  }
0x9d: {  	s8 =	simm.s32 $0x0;
	s20 =	sshll.u32 s6, $0x1;
	s6 =	sadd.s32 s21, s4  }
0x9e: {  	[timem:s8], [sflag:s22] =	dma.local [hbm:s6], s20  }
0x9f: {  	_ =	swait.ge [sflag:s22], s20  }
0xa0: {  	s5 =	ssub.s32 $0x0, s20;
	[sflag:s22] =	ssyncset.done $0x0  }
0xa1: {  	[sflag:s22] =	ssyncadd.s32 s5;
	_ =	sdelay $0x1  }
0xa2: {  	s23 =	simm.s32 $0x1B8B  }
0xa3: {  	_ =	swait.ge [sflag:s23], $0x1  }
0xa4: {  	[sflag:s23] =	ssyncset.done $0x0  }
0xa5: {  	s25 =	simm.s32 $0x1B8E;
	s24 =	sld [smem:$0x3FFE];
	[sflag:s23] =	ssyncadd.s32 $0xFFFFFFFF  }
0xa6: {  	s26 =	simm.s32 $execute0_lowered;
	[smem:$0x3FD2] =	sst s25  }
0xa7: {  	s6 =	sshll.u32 s26, $0x1;
	_ =	strace $0x80000049;
	[dreg:$0x1] =	wrdreg $0xFFFFFFFF  }
0xa8: {  	s28 =	simm.s32 $_size_execute0_lowered;
	s4 =	sadd.s32 s4, s6;
	[dreg:$0x0] =	wrdreg $0x0  }
0xa9: {  	s6 =	sshll.u32 s28, $0x1;
	[dreg:$0x2] =	wrdreg s4  }
0xaa: {  	[dreg:$0x3] =	wrdreg s6  }
0xab: {  	[dreg:$0x4] =	wrdreg $0xC0  }
0xac: {  	_ =	task [dreg:s8], $0x5FFFF  }
0xad: {  	[dreg:$0x1] =	wrdreg $0xFFFFFFFF  }
0xae: {  	[dreg:$0x0] =	wrdreg $0x60  }
0xaf: {  	[dreg:$0x2] =	wrdreg s24  }
0xb0: {  	[dreg:$0x3] =	wrdreg s2  }
0xb1: {  	[dreg:$0x4] =	wrdreg s18  }
0xb2: {  	[dreg:$0x5] =	wrdreg $0x9  }
0xb3: {  	_ =	task.clear_ibuf [dreg:s8], $0x6FFFF;
	_ =	strace $0x90000049  }
0xb4: {  	s29 =	simm.s32 $0x9;
	_ =	strace $0x8000004B  }
0xb5: {  	_ =	swait.ge [sflag:s29], $0x1  }
0xb6: {  	[sflag:s29] =	ssyncadd.s32 $0xFFFFFFFF  }
0xb7: {  	_ =	strace $0x9000004B  }
0xb8: {  	_ =	sfence  }
0xb9: {  	s30 =	sld [smem:$0x0];
	_ =	sdelay $0x2  }
0xba: {  	s31 =	sshll.u32 s1, $0xD;
	s1 =	sshrl.u32 s1, $0x2  }
0xbb: {  	s3 =	sand.u32 $0x4000, s31;
	s1 =	sadd.s32 s1, s30  }
0xbc: {  	s0 =	sor.u32 s3, s0;
	s1 =	sshll.u32 s1, $0x11  }
0xbd: {  	s0 =	sor.u32 s1, s0  }
0xbe: {  	s0 =	sadd.s32 $0x8F2B, s0  }
0xbf: {  	[sflag:s0] =	ssyncadd.remote.s32 $0x1  }
0xc0: {  	_ =	sfence.sel $0xFFFF  }
0xc1: {  	[dreg:$0x0] =	wrdreg $0xFFFFFFFF;
	(pc) =	sbr.abs _section_cstart, $3  }
0xc2: {  	[dreg:$0x1] =	wrdreg $0xFFFFFFFF  }
0xc3: {  	_ =	task.clear_ibuf [dreg:s8], $0x2FFFF;
	_ =	strace $0x9FFFFFFF  }
0xc4: {  	(tm) =	ssettm $0x7FFFFFFF  }
0xc5: {  	_ =	shalt  }
tec
execute0_lowered:
.L_overlay_start_1:
0x0: {  	(tag) =	ssettag $0x1  }
0x1: {  	s0 =	rddreg [dreg:$0x0];
	s1 =	srdreg.scid  }
0x2: {  	s2 =	stileid.u32;
	s3 =	rddreg [dreg:$0x2];
	s1 =	sand.u32 $0x1, s1  }
0x3: {  	s4 =	simm.s32 $0x0;
	s2 =	sshll.u32 s2, $0x6;
	s5 =	sshll.u32 s1, $0x5  }
0x4: {  	s28 =	simm.s32 $0xC040;
	s29 =	simm.s32 $0x2;
	s5 =	sor.u32 s5, s2  }
0x5: {  	s30 =	simm.s32 $0x16080;
	s6 =	sadd.s32 $0x800, s0;
	s2 =	sshll.u32 s5, $0xD  }
0x6: {  	s31 =	simm.s32 $0x3;
	s9 =	simm.s32 $0x0;
	s7 =	sadd.s32 s6, s2  }
0x7: {  	[smem:$0x7FF] =	sst s4;
	s1 =	ssub.s32 $0x2, s1;
	s2 =	sadd.s32 $0x1080, s7  }
0x8: {  	_ =	strace $0x8000004A;
	s20 =	sadd.s32 $0x1180, s7;
	[dreg:$0x4] =	wrdreg s2  }
0x9: {  	s8 =	sshrl.u32 s1, $0x1;
	s21 =	sadd.s32 $0x1280, s7;
	[dreg:$0x5] =	wrdreg s20  }
0xa: {  	s1 =	ssub.s32 s1, s8;
	s22 =	sadd.s32 $0x1380, s7;
	[dreg:$0x6] =	wrdreg s21  }
0xb: {  	s8 =	simm.s32 $0x4;
	s23 =	sadd.s32 $0x1480, s7;
	[dreg:$0x7] =	wrdreg s22  }
0xc: {  	s24 =	sadd.s32 $0x1580, s7;
	s25 =	sadd.s32 $0x1680, s7;
	[dreg:$0x8] =	wrdreg s23  }
0xd: {  	s26 =	sadd.s32 $0x1780, s7;
	s16 =	sadd.s32 $0x1880, s7;
	[dreg:$0x9] =	wrdreg s24  }
0xe: {  	s17 =	sadd.s32 $0x1980, s7;
	s18 =	sadd.s32 $0x1A80, s7;
	[dreg:$0xa] =	wrdreg s25  }
0xf: {  	s19 =	sadd.s32 $0x1B80, s7;
	[dreg:$0xb] =	wrdreg s26;
	s20 =	sadd.s32 $0x1C80, s7  }
0x10: {  	s21 =	sadd.s32 $0x1D80, s7;
	s22 =	sadd.s32 $0x1E80, s7;
	s23 =	sadd.s32 $0x1F80, s7  }
0x11: {  	s24 =	sadd.s32 $0x2800, s0;
	s25 =	smax.u32 s1, $0x1;
	s26 =	simm.s32 $0x4040  }
0x12: {  	s1 =	simm.s32 $0x5;
	s0 =	simm.s32 $0x1;
	s2 =	simm.s32 $0x10040  }
.LBB2_1:
0x13: {  	[tilespmem:s26], [sflag:$0x1] =	stream.linear.gather [hbm4b:s7+s4], $0x8000, $0x38;
	[tilespmem:$0x180C0] =	vst v63  }
0x14: {  	s10 =	rddreg [dreg:$0x4]  }
0x15: {  	[tilespmem:s28], [sflag:$0x2] =	stream.linear.gather [hbm4b:s10+s4], $0x400, $0x38;
	[tilespmem:$0x180C0] =	vst v63  }
0x16: {  	s15 =	rddreg [dreg:$0x5];
	s11 =	simm.s32 $0xC440  }
0x17: {  	[tilespmem:s11], [sflag:$0x2] =	stream.linear.gather [hbm4b:s15+s4], $0x400, $0x38;
	[tilespmem:$0x180C0] =	vst v63  }
0x18: {  	s12 =	rddreg [dreg:$0x6];
	s13 =	simm.s32 $0xC840  }
0x19: {  	[tilespmem:s13], [sflag:$0x2] =	stream.linear.gather [hbm4b:s12+s4], $0x400, $0x38;
	[tilespmem:$0x180C0] =	vst v63  }
0x1a: {  	s14 =	rddreg [dreg:$0x7];
	s15 =	simm.s32 $0xCC40  }
0x1b: {  	[tilespmem:s15], [sflag:$0x2] =	stream.linear.gather [hbm4b:s14+s4], $0x400, $0x38;
	[tilespmem:$0x180C0] =	vst v63  }
0x1c: {  	s12 =	rddreg [dreg:$0x8];
	s13 =	simm.s32 $0xD040  }
0x1d: {  	[tilespmem:s13], [sflag:$0x2] =	stream.linear.gather [hbm4b:s12+s4], $0x400, $0x38;
	[tilespmem:$0x180C0] =	vst v63  }
0x1e: {  	s14 =	rddreg [dreg:$0x9];
	s15 =	simm.s32 $0xD440  }
0x1f: {  	[tilespmem:s15], [sflag:$0x2] =	stream.linear.gather [hbm4b:s14+s4], $0x400, $0x38;
	[tilespmem:$0x180C0] =	vst v63  }
0x20: {  	s12 =	rddreg [dreg:$0xa];
	s13 =	simm.s32 $0xD840  }
0x21: {  	[tilespmem:s13], [sflag:$0x2] =	stream.linear.gather [hbm4b:s12+s4], $0x400, $0x38;
	[tilespmem:$0x180C0] =	vst v63  }
0x22: {  	s14 =	rddreg [dreg:$0xb];
	s15 =	simm.s32 $0xDC40  }
0x23: {  	[tilespmem:s15], [sflag:$0x2] =	stream.linear.gather [hbm4b:s14+s4], $0x400, $0x38;
	[tilespmem:$0x180C0] =	vst v63  }
0x24: {  	s12 =	simm.s32 $0xE040  }
0x25: {  	[tilespmem:s12], [sflag:$0x2] =	stream.linear.gather [hbm4b:s16+s4], $0x400, $0x38;
	[tilespmem:$0x180C0] =	vst v63  }
0x26: {  	s13 =	simm.s32 $0xE440  }
0x27: {  	[tilespmem:s13], [sflag:$0x2] =	stream.linear.gather [hbm4b:s17+s4], $0x400, $0x38;
	[tilespmem:$0x180C0] =	vst v63  }
0x28: {  	s14 =	simm.s32 $0xE840  }
0x29: {  	[tilespmem:s14], [sflag:$0x2] =	stream.linear.gather [hbm4b:s18+s4], $0x400, $0x38;
	[tilespmem:$0x180C0] =	vst v63  }
0x2a: {  	s15 =	simm.s32 $0xEC40  }
0x2b: {  	[tilespmem:s15], [sflag:$0x2] =	stream.linear.gather [hbm4b:s19+s4], $0x400, $0x38;
	[tilespmem:$0x180C0] =	vst v63  }
0x2c: {  	s11 =	simm.s32 $0xF040  }
0x2d: {  	[tilespmem:s11], [sflag:$0x2] =	stream.linear.gather [hbm4b:s20+s4], $0x400, $0x38;
	[tilespmem:$0x180C0] =	vst v63  }
0x2e: {  	s12 =	simm.s32 $0xF440  }
0x2f: {  	[tilespmem:s12], [sflag:$0x2] =	stream.linear.gather [hbm4b:s21+s4], $0x400, $0x38;
	[tilespmem:$0x180C0] =	vst v63  }
0x30: {  	s13 =	simm.s32 $0xF840  }
0x31: {  	[tilespmem:s13], [sflag:$0x2] =	stream.linear.gather [hbm4b:s22+s4], $0x400, $0x38;
	[tilespmem:$0x180C0] =	vst v63  }
0x32: {  	s14 =	simm.s32 $0xFC40  }
0x33: {  	[tilespmem:s14], [sflag:$0x2] =	stream.linear.gather [hbm4b:s23+s4], $0x400, $0x38;
	[tilespmem:$0x180C0] =	vst v63  }
0x34: {  	s15 =	rddreg [dreg:$0x1]  }
0x35: {  	[tilespmem:s4], [sflag:$0x5] =	stream.linear.gather [hbm4b:s15+s4], $0x4040, $0x38;
	[tilespmem:$0x180C0] =	vst v63  }
0x36: {  	_ =	swait.ge [sflag:s1], $0x4040  }
0x37: {  	[sflag:s1] =	ssyncset.done $0x0  }
0x38: {  	s10 =	simm.s32 $0x0;
	[sflag:s1] =	ssyncadd.s32 $0xFFFFBFC0  }
.LBB2_2:
0x39: {  	_ =	swait.ge [sflag:s0], $0x8000  }
0x3a: {  	p1 =	seq.s32 s10, $0x0;
	[sflag:s0] =	ssyncset.done $0x0  }
0x3b: {  	s11 =	simm.s32 @!p1 $0x3;
	[sflag:s0] =	ssyncadd.s32 $0xFFFF8000  }
0x3c: {  	_ =	swait.ge @!p1 [sflag:s11], $0x6040  }
0x3d: {  	[sflag:s11] =	ssyncset.done @!p1 $0x0  }
0x3e: {  	s15 =	simm.s32 $0x40;
	[sflag:s11] =	ssyncadd.s32 @!p1 $0xFFFF9FC0  }
0x3f: {  	v0 =	vld [tilespmem:s15+$0x30]  }
0x40: {  	v1 =	vld [tilespmem:s15+$0xFFFFFFD0];
	_ =	sdelay $0x1  }
0x41: {  	v2 =	vld [tilespmem:s15+$0xFFFFFFE0]  }
0x42: {  	v3 =	vld [tilespmem:s15+$0x20]  }
0x43: {  	v4 =	vshrl.u32 v0, $0x10  }
0x44: {  	v5 =	vld [tilespmem:s15+$0xFFFFFFF0];
	v6 =	vand.u32 $0xFFFF, v1  }
0x45: {  	v7 =	vld [tilespmem:s15+$0xFFFFFFC0];
	v1 =	vshrl.u32 v1, $0x10  }
0x46: {  	v8 =	vld [tilespmem:s15+$0x0];
	v9 =	vand.u32 $0xFFFF, v2  }
0x47: {  	v10 =	vld [tilespmem:s15+$0x10];
	v11 =	vand.u32 $0xFFFF, v3  }
0x48: {  	v3 =	vshrl.u32 v3, $0x10;
	v4 =	vld.idx.msk [tilespmem:v4+s26+$0x0], $0xffff  }
0x49: {  	v0 =	vand.u32 $0xFFFF, v0;
	v6 =	vld.idx.msk [tilespmem:v6+s26+$0x0], $0xffff  }
0x4a: {  	v12 =	vand.u32 $0xFFFF, v7;
	v1 =	vld.idx.msk [tilespmem:v1+s26+$0x0], $0xffff  }
0x4b: {  	v7 =	vshrl.u32 v7, $0x10;
	v9 =	vld.idx.msk [tilespmem:v9+s26+$0x0], $0xffff  }
0x4c: {  	v14 =	vand.u32 $0xFFFF, v5;
	v11 =	vld.idx.msk [tilespmem:v11+s26+$0x0], $0xffff  }
0x4d: {  	v13 =	vshrl.u32 v2, $0x10;
	v15 =	vld.idx.msk [tilespmem:v3+s26+$0x0], $0xffff  }
0x4e: {  	s12 =	simm.s32 $0x100C0;
	v3 =	vshrl.u32 v5, $0x10;
	v2 =	vld.idx.msk [tilespmem:v0+s26+$0x0], $0xffff  }
0x4f: {  	v12 =	vld.idx.msk [tilespmem:v12+s26+$0x0], $0xffff;
	v0 =	vand.u32 $0xFFFF, v8;
	[tilespmem:s12+$0x70] =	vst v4  }
0x50: {  	v5 =	vld.idx.msk [tilespmem:v7+s26+$0x0], $0xffff;
	v4 =	vshrl.u32 v8, $0x10;
	[tilespmem:s12+$0xFFFFFFA0] =	vst v6  }
0x51: {  	v7 =	vld.idx.msk [tilespmem:v14+s26+$0x0], $0xffff;
	[tilespmem:s12+$0xFFFFFFB0] =	vst v1  }
0x52: {  	v6 =	vld.idx.msk [tilespmem:v13+s26+$0x0], $0xffff;
	[tilespmem:s12+$0x40] =	vst v11  }
0x53: {  	v8 =	vld.idx.msk [tilespmem:v3+s26+$0x0], $0xffff;
	[tilespmem:s12+$0xFFFFFFC0] =	vst v9  }
0x54: {  	v3 =	vld.idx.msk [tilespmem:v0+s26+$0x0], $0xffff;
	[tilespmem:s12+$0x50] =	vst v15  }
0x55: {  	s13 =	simm.s32 $0x0;
	s14 =	simm.s32 $0xC0;
	s11 =	sor.u32 s5, s10;
	v0 =	vshrl.u32 v10, $0x10;
	v1 =	vand.u32 $0xFFFF, v10;
	[tilespmem:s12+$0xFFFFFF80] =	vst v12;
	v4 =	vld.idx.msk [tilespmem:v4+s26+$0x0], $0xffff  }
.LBB2_3:
0x56: {  	v9 =	vld [tilespmem:s14+$0x30];
	s13 =	sadd.s32 $0x4, s13;
	[tilespmem:s12+$0xFFFFFF90] =	vst v5  }
0x57: {  	v5 =	vld [tilespmem:s14+$0xFFFFFFD0];
	p0 =	slt.u32 s13, $0x17C;
	[tilespmem:s12+$0xFFFFFFD0] =	vst v6  }
0x58: {  	v6 =	vld [tilespmem:s14+$0xFFFFFFE0];
	[tilespmem:s12+$0xFFFFFFE0] =	vst v7  }
0x59: {  	v7 =	vld [tilespmem:s14+$0xFFFFFFF0];
	[tilespmem:s12+$0xFFFFFFF0] =	vst v8  }
0x5a: {  	v8 =	vld [tilespmem:s14+$0x20];
	[tilespmem:s12+$0x60] =	vst v2  }
0x5b: {  	v2 =	vld [tilespmem:s14+$0x0];
	v10 =	vshrl.u32 v9, $0x10  }
0x5c: {  	v11 =	vshrl.u32 v5, $0x10;
	v5 =	vand.u32 $0xFFFF, v5;
	v12 =	vld [tilespmem:s14+$0x10]  }
0x5d: {  	v13 =	vld [tilespmem:s14+$0xFFFFFFC0];
	v14 =	vshrl.u32 v6, $0x10;
	v6 =	vand.u32 $0xFFFF, v6  }
0x5e: {  	v15 =	vshrl.u32 v7, $0x10;
	v7 =	vand.u32 $0xFFFF, v7;
	v16 =	vld.idx.msk [tilespmem:v1+s26+$0x0], $0xffff  }
0x5f: {  	v17 =	vand.u32 $0xFFFF, v8;
	v18 =	vld.idx.msk [tilespmem:v0+s26+$0x0], $0xffff;
	[tilespmem:s12+$0x0] =	vst v3  }
0x60: {  	v19 =	vshrl.u32 v2, $0x10;
	v3 =	vand.u32 $0xFFFF, v2;
	v2 =	vshrl.u32 v8, $0x10;
	v8 =	vld.idx.msk [tilespmem:v10+s26+$0x0], $0xffff;
	[tilespmem:s12+$0x10] =	vst v4  }
0x61: {  	v4 =	vld.idx.msk [tilespmem:v5+s26+$0x0], $0xffff;
	v0 =	vshrl.u32 v12, $0x10;
	v1 =	vand.u32 $0xFFFF, v12;
	v5 =	vand.u32 $0xFFFF, v9  }
0x62: {  	v9 =	vshrl.u32 v13, $0x10;
	v10 =	vand.u32 $0xFFFF, v13;
	v11 =	vld.idx.msk [tilespmem:v11+s26+$0x0], $0xffff  }
0x63: {  	v12 =	vld.idx.msk [tilespmem:v6+s26+$0x0], $0xffff  }
0x64: {  	v13 =	vld.idx.msk [tilespmem:v17+s26+$0x0], $0xffff;
	[tilespmem:s12+$0x20] =	vst v16  }
0x65: {  	v16 =	vld.idx.msk [tilespmem:v2+s26+$0x0], $0xffff;
	[tilespmem:s12+$0x30] =	vst v18;
	s12 =	sadd.s32 $0x100, s12  }
0x66: {  	v2 =	vld.idx.msk [tilespmem:v5+s26+$0x0], $0xffff;
	[tilespmem:s12+$0x70] =	vst v8  }
0x67: {  	v10 =	vld.idx.msk [tilespmem:v10+s26+$0x0], $0xffff  }
0x68: {  	v5 =	vld.idx.msk [tilespmem:v9+s26+$0x0], $0xffff;
	[tilespmem:s12+$0xFFFFFFA0] =	vst v4  }
.Ltmp0:
0x69: {  	[tilespmem:s12+$0xFFFFFFB0] =	vst v11;
	v6 =	vld.idx.msk [tilespmem:v14+s26+$0x0], $0xffff;
	(pc) =	sbr.rel @p0 .LBB2_3-.Ltmp0, $4  }
0x6a: {  	v7 =	vld.idx.msk [tilespmem:v7+s26+$0x0], $0xffff;
	[tilespmem:s12+$0x40] =	vst v13  }
0x6b: {  	v8 =	vld.idx.msk [tilespmem:v15+s26+$0x0], $0xffff;
	[tilespmem:s12+$0xFFFFFFC0] =	vst v12  }
0x6c: {  	v3 =	vld.idx.msk [tilespmem:v3+s26+$0x0], $0xffff;
	[tilespmem:s12+$0x50] =	vst v16  }
0x6d: {  	s14 =	sadd.s32 $0x80, s14;
	[tilespmem:s12+$0xFFFFFF80] =	vst v10;
	v4 =	vld.idx.msk [tilespmem:v19+s26+$0x0], $0xffff  }
0x6e: {  	_ =	sdelay $0x1  }
0x6f: {  	[tilespmem:s12+$0xFFFFFF90] =	vst v5  }
0x70: {  	[tilespmem:s12+$0xFFFFFFD0] =	vst v6  }
0x71: {  	v1 =	vld.idx.msk [tilespmem:v1+s26+$0x0], $0xffff;
	[tilespmem:s12+$0x60] =	vst v2  }
0x72: {  	v0 =	vld.idx.msk [tilespmem:v0+s26+$0x0], $0xffff;
	[tilespmem:s12+$0xFFFFFFE0] =	vst v7  }
0x73: {  	[tilespmem:s12+$0xFFFFFFF0] =	vst v8  }
0x74: {  	[tilespmem:s12+$0x0] =	vst v3  }
0x75: {  	[tilespmem:s12+$0x10] =	vst v4  }
0x76: {  	[tilespmem:s12+$0x20] =	vst v1  }
0x77: {  	[tilespmem:s12+$0x30] =	vst v0  }
0x78: {  	v0 =	vld [tilespmem:$0x3000];
	_ =	sdelay $0x1  }
0x79: {  	v1 =	vld [tilespmem:$0x3010];
	_ =	sdelay $0x2  }
0x7a: {  	v2 =	vand.u32 $0xFFFF, v0  }
0x7b: {  	v0 =	vshrl.u32 v0, $0x10  }
0x7c: {  	v3 =	vand.u32 $0xFFFF, v1  }
0x7d: {  	v1 =	vshrl.u32 v1, $0x10;
	_ =	sdelay $0x1  }
0x7e: {  	v2 =	vld.idx.msk [tilespmem:v2+s26+$0x0], $0xffff  }
0x7f: {  	v0 =	vld.idx.msk [tilespmem:v0+s26+$0x0], $0xffff  }
0x80: {  	v3 =	vld.idx.msk [tilespmem:v3+s26+$0x0], $0xffff  }
0x81: {  	v1 =	vld.idx.msk [tilespmem:v1+s26+$0x0], $0xffff;
	_ =	sdelay $0x1  }
0x82: {  	p0 =	seq.s32 s10, $0x1F;
	[tilespmem:$0x16040] =	vst v2  }
0x83: {  	s12 =	sshll.u32 @!p0 s11, $0xD;
	s11 =	smul.u32 $0x8080, s11;
	[tilespmem:$0x16050] =	vst v0  }
0x84: {  	s14 =	simm.s32 @!p0 $0x0;
	[tilespmem:$0x16060] =	vst v3  }
0x85: {  	s15 =	simm.s32 @!p0 $0x4040;
	s13 =	sadd.s32 @!p0 s12, s24;
	s11 =	sshrl.u32 s11, $0x3;
	[tilespmem:$0x16070] =	vst v1  }
0x86: {  	[tilespmem:s15], [sflag:$0x1] =	stream.linear.gather @!p0 [hbm4b:s13+s14], $0x8000, $0x38;
	[tilespmem:$0x180C0] =	vst v63  }
0x87: {  	s11 =	sadd.s32 s3, s11  }
0x88: {  	[hbm4b:s11+s4] =	stream.linear.scatter [tilespmem:s2], [sflag:$0x3], $0x6040, $0x38;
	[tilespmem:$0x180C0] =	vst v63  }
0x89: {  	_ =	swait.ge [sflag:s29], $0x400  }
0x8a: {  	[sflag:s29] =	ssyncset.done $0x0  }
0x8b: {  	[sflag:s29] =	ssyncadd.s32 $0xFFFFFC00  }
0x8c: {  	_ =	swait.ge [sflag:s29], $0x400  }
0x8d: {  	[sflag:s29] =	ssyncset.done $0x0  }
0x8e: {  	[sflag:s29] =	ssyncadd.s32 $0xFFFFFC00  }
0x8f: {  	_ =	swait.ge [sflag:s29], $0x400  }
0x90: {  	[sflag:s29] =	ssyncset.done $0x0  }
0x91: {  	[sflag:s29] =	ssyncadd.s32 $0xFFFFFC00  }
0x92: {  	_ =	swait.ge [sflag:s29], $0x400  }
0x93: {  	[sflag:s29] =	ssyncset.done $0x0  }
0x94: {  	[sflag:s29] =	ssyncadd.s32 $0xFFFFFC00  }
0x95: {  	_ =	swait.ge [sflag:s29], $0x400  }
0x96: {  	[sflag:s29] =	ssyncset.done $0x0  }
0x97: {  	[sflag:s29] =	ssyncadd.s32 $0xFFFFFC00  }
0x98: {  	_ =	swait.ge [sflag:s29], $0x400  }
0x99: {  	[sflag:s29] =	ssyncset.done $0x0  }
0x9a: {  	[sflag:s29] =	ssyncadd.s32 $0xFFFFFC00  }
0x9b: {  	_ =	swait.ge [sflag:s29], $0x400  }
0x9c: {  	[sflag:s29] =	ssyncset.done $0x0  }
0x9d: {  	[sflag:s29] =	ssyncadd.s32 $0xFFFFFC00  }
0x9e: {  	_ =	swait.ge [sflag:s29], $0x400  }
0x9f: {  	[sflag:s29] =	ssyncset.done $0x0  }
0xa0: {  	[sflag:s29] =	ssyncadd.s32 $0xFFFFFC00  }
0xa1: {  	_ =	swait.ge [sflag:s29], $0x400  }
0xa2: {  	[sflag:s29] =	ssyncset.done $0x0  }
0xa3: {  	[sflag:s29] =	ssyncadd.s32 $0xFFFFFC00  }
0xa4: {  	_ =	swait.ge [sflag:s29], $0x400  }
0xa5: {  	[sflag:s29] =	ssyncset.done $0x0  }
0xa6: {  	[sflag:s29] =	ssyncadd.s32 $0xFFFFFC00  }
0xa7: {  	_ =	swait.ge [sflag:s29], $0x400  }
0xa8: {  	[sflag:s29] =	ssyncset.done $0x0  }
0xa9: {  	[sflag:s29] =	ssyncadd.s32 $0xFFFFFC00  }
0xaa: {  	_ =	swait.ge [sflag:s29], $0x400  }
0xab: {  	[sflag:s29] =	ssyncset.done $0x0  }
0xac: {  	[sflag:s29] =	ssyncadd.s32 $0xFFFFFC00  }
0xad: {  	_ =	swait.ge [sflag:s29], $0x400  }
0xae: {  	[sflag:s29] =	ssyncset.done $0x0  }
0xaf: {  	[sflag:s29] =	ssyncadd.s32 $0xFFFFFC00  }
0xb0: {  	_ =	swait.ge [sflag:s29], $0x400  }
0xb1: {  	[sflag:s29] =	ssyncset.done $0x0  }
0xb2: {  	[sflag:s29] =	ssyncadd.s32 $0xFFFFFC00  }
0xb3: {  	_ =	swait.ge [sflag:s29], $0x400  }
0xb4: {  	[sflag:s29] =	ssyncset.done $0x0  }
0xb5: {  	[sflag:s29] =	ssyncadd.s32 $0xFFFFFC00  }
0xb6: {  	_ =	swait.ge [sflag:s29], $0x400  }
0xb7: {  	[sflag:s29] =	ssyncset.done $0x0  }
0xb8: {  	s13 =	simm.s32 @!p1 $0x4;
	[sflag:s29] =	ssyncadd.s32 $0xFFFFFC00  }
0xb9: {  	_ =	swait.ge @!p1 [sflag:s13], $0x2040  }
0xba: {  	[sflag:s13] =	ssyncset.done @!p1 $0x0  }
0xbb: {  	s15 =	simm.s32 $0x3090;
	[sflag:s13] =	ssyncadd.s32 @!p1 $0xFFFFDFC0  }
0xbc: {  	v0 =	vld [tilespmem:s15+$0x0]  }
0xbd: {  	v1 =	vld [tilespmem:s15+$0xFFFFFFA0];
	_ =	sdelay $0x1  }
0xbe: {  	v2 =	vld [tilespmem:s15+$0xFFFFFFB0]  }
0xbf: {  	v3 =	vld [tilespmem:s15+$0xFFFFFFF0]  }
0xc0: {  	v4 =	vshrl.u32 v0, $0x10  }
0xc1: {  	v5 =	vld [tilespmem:s15+$0xFFFFFFC0];
	v6 =	vand.u32 $0xFFFF, v1  }
0xc2: {  	v7 =	vld [tilespmem:s15+$0xFFFFFF90];
	v1 =	vshrl.u32 v1, $0x10  }
0xc3: {  	v8 =	vld [tilespmem:s15+$0xFFFFFFD0];
	v9 =	vand.u32 $0xFFFF, v2  }
0xc4: {  	v10 =	vld [tilespmem:s15+$0xFFFFFFE0];
	v11 =	vand.u32 $0xFFFF, v3  }
0xc5: {  	v3 =	vshrl.u32 v3, $0x10;
	v4 =	vld.idx.msk [tilespmem:v4+s28+$0x0], $0xffff  }
0xc6: {  	v0 =	vand.u32 $0xFFFF, v0;
	v6 =	vld.idx.msk [tilespmem:v6+s28+$0x0], $0xffff  }
0xc7: {  	v12 =	vand.u32 $0xFFFF, v7;
	v1 =	vld.idx.msk [tilespmem:v1+s28+$0x0], $0xffff  }
0xc8: {  	v7 =	vshrl.u32 v7, $0x10;
	v9 =	vld.idx.msk [tilespmem:v9+s28+$0x0], $0xffff  }
0xc9: {  	v14 =	vand.u32 $0xFFFF, v5;
	v11 =	vld.idx.msk [tilespmem:v11+s28+$0x0], $0xffff  }
0xca: {  	v13 =	vshrl.u32 v2, $0x10;
	v15 =	vld.idx.msk [tilespmem:v3+s28+$0x0], $0xffff  }
0xcb: {  	s13 =	simm.s32 $0x16170;
	v3 =	vshrl.u32 v5, $0x10;
	v2 =	vld.idx.msk [tilespmem:v0+s28+$0x0], $0xffff  }
0xcc: {  	v12 =	vld.idx.msk [tilespmem:v12+s28+$0x0], $0xffff;
	v0 =	vand.u32 $0xFFFF, v8;
	[tilespmem:s13+$0x0] =	vst v4  }
0xcd: {  	v5 =	vld.idx.msk [tilespmem:v7+s28+$0x0], $0xffff;
	v4 =	vshrl.u32 v8, $0x10;
	[tilespmem:s13+$0xFFFFFF30] =	vst v6  }
0xce: {  	v7 =	vld.idx.msk [tilespmem:v14+s28+$0x0], $0xffff;
	[tilespmem:s13+$0xFFFFFF40] =	vst v1  }
0xcf: {  	v6 =	vld.idx.msk [tilespmem:v13+s28+$0x0], $0xffff;
	[tilespmem:s13+$0xFFFFFFD0] =	vst v11  }
0xd0: {  	v8 =	vld.idx.msk [tilespmem:v3+s28+$0x0], $0xffff;
	[tilespmem:s13+$0xFFFFFF50] =	vst v9  }
0xd1: {  	v3 =	vld.idx.msk [tilespmem:v0+s28+$0x0], $0xffff;
	[tilespmem:s13+$0xFFFFFFE0] =	vst v15  }
0xd2: {  	s14 =	simm.s32 $0x0;
	s15 =	simm.s32 $0x3110;
	v0 =	vshrl.u32 v10, $0x10;
	v1 =	vand.u32 $0xFFFF, v10;
	[tilespmem:s13+$0xFFFFFF10] =	vst v12;
	v4 =	vld.idx.msk [tilespmem:v4+s28+$0x0], $0xffff  }
.LBB2_5:
0xd3: {  	v9 =	vld [tilespmem:s15+$0x0];
	s14 =	sadd.s32 $0x4, s14;
	[tilespmem:s13+$0xFFFFFF20] =	vst v5  }
0xd4: {  	v5 =	vld [tilespmem:s15+$0xFFFFFFA0];
	p1 =	slt.u32 s14, $0x7C;
	[tilespmem:s13+$0xFFFFFF60] =	vst v6  }
0xd5: {  	v6 =	vld [tilespmem:s15+$0xFFFFFFB0];
	[tilespmem:s13+$0xFFFFFF70] =	vst v7  }
0xd6: {  	v7 =	vld [tilespmem:s15+$0xFFFFFFC0];
	[tilespmem:s13+$0xFFFFFF80] =	vst v8  }
0xd7: {  	v8 =	vld [tilespmem:s15+$0xFFFFFFF0];
	[tilespmem:s13+$0xFFFFFFF0] =	vst v2  }
0xd8: {  	v2 =	vld [tilespmem:s15+$0xFFFFFFD0];
	v10 =	vshrl.u32 v9, $0x10  }
0xd9: {  	v11 =	vshrl.u32 v5, $0x10;
	v5 =	vand.u32 $0xFFFF, v5;
	v12 =	vld [tilespmem:s15+$0xFFFFFFE0]  }
0xda: {  	v13 =	vld [tilespmem:s15+$0xFFFFFF90];
	v14 =	vshrl.u32 v6, $0x10;
	v6 =	vand.u32 $0xFFFF, v6  }
0xdb: {  	v15 =	vshrl.u32 v7, $0x10;
	v7 =	vand.u32 $0xFFFF, v7;
	v16 =	vld.idx.msk [tilespmem:v1+s28+$0x0], $0xffff  }
0xdc: {  	v17 =	vand.u32 $0xFFFF, v8;
	v18 =	vld.idx.msk [tilespmem:v0+s28+$0x0], $0xffff;
	[tilespmem:s13+$0xFFFFFF90] =	vst v3  }
0xdd: {  	v19 =	vshrl.u32 v2, $0x10;
	v3 =	vand.u32 $0xFFFF, v2;
	v2 =	vshrl.u32 v8, $0x10;
	v8 =	vld.idx.msk [tilespmem:v10+s28+$0x0], $0xffff;
	[tilespmem:s13+$0xFFFFFFA0] =	vst v4  }
0xde: {  	v4 =	vld.idx.msk [tilespmem:v5+s28+$0x0], $0xffff;
	v0 =	vshrl.u32 v12, $0x10;
	v1 =	vand.u32 $0xFFFF, v12;
	v5 =	vand.u32 $0xFFFF, v9  }
0xdf: {  	v9 =	vshrl.u32 v13, $0x10;
	v10 =	vand.u32 $0xFFFF, v13;
	v11 =	vld.idx.msk [tilespmem:v11+s28+$0x0], $0xffff  }
0xe0: {  	v12 =	vld.idx.msk [tilespmem:v6+s28+$0x0], $0xffff  }
0xe1: {  	v13 =	vld.idx.msk [tilespmem:v17+s28+$0x0], $0xffff;
	[tilespmem:s13+$0xFFFFFFB0] =	vst v16  }
0xe2: {  	v16 =	vld.idx.msk [tilespmem:v2+s28+$0x0], $0xffff;
	[tilespmem:s13+$0xFFFFFFC0] =	vst v18;
	s13 =	sadd.s32 $0x100, s13  }
0xe3: {  	v2 =	vld.idx.msk [tilespmem:v5+s28+$0x0], $0xffff;
	[tilespmem:s13+$0x0] =	vst v8  }
0xe4: {  	v10 =	vld.idx.msk [tilespmem:v10+s28+$0x0], $0xffff  }
0xe5: {  	v5 =	vld.idx.msk [tilespmem:v9+s28+$0x0], $0xffff;
	[tilespmem:s13+$0xFFFFFF30] =	vst v4  }
.Ltmp1:
0xe6: {  	[tilespmem:s13+$0xFFFFFF40] =	vst v11;
	v6 =	vld.idx.msk [tilespmem:v14+s28+$0x0], $0xffff;
	(pc) =	sbr.rel @p1 .LBB2_5-.Ltmp1, $4  }
0xe7: {  	v7 =	vld.idx.msk [tilespmem:v7+s28+$0x0], $0xffff;
	[tilespmem:s13+$0xFFFFFFD0] =	vst v13  }
0xe8: {  	v8 =	vld.idx.msk [tilespmem:v15+s28+$0x0], $0xffff;
	[tilespmem:s13+$0xFFFFFF50] =	vst v12  }
0xe9: {  	v3 =	vld.idx.msk [tilespmem:v3+s28+$0x0], $0xffff;
	[tilespmem:s13+$0xFFFFFFE0] =	vst v16  }
0xea: {  	s15 =	sadd.s32 $0x80, s15;
	[tilespmem:s13+$0xFFFFFF10] =	vst v10;
	v4 =	vld.idx.msk [tilespmem:v19+s28+$0x0], $0xffff  }
0xeb: {  	_ =	sdelay $0x1  }
0xec: {  	[tilespmem:s13+$0xFFFFFF20] =	vst v5  }
0xed: {  	[tilespmem:s13+$0xFFFFFF60] =	vst v6  }
0xee: {  	v1 =	vld.idx.msk [tilespmem:v1+s28+$0x0], $0xffff;
	[tilespmem:s13+$0xFFFFFFF0] =	vst v2  }
0xef: {  	v0 =	vld.idx.msk [tilespmem:v0+s28+$0x0], $0xffff;
	[tilespmem:s13+$0xFFFFFF70] =	vst v7  }
0xf0: {  	[tilespmem:s13+$0xFFFFFF80] =	vst v8  }
0xf1: {  	[tilespmem:s13+$0xFFFFFF90] =	vst v3  }
0xf2: {  	[tilespmem:s13+$0xFFFFFFA0] =	vst v4  }
0xf3: {  	[tilespmem:s13+$0xFFFFFFB0] =	vst v1  }
0xf4: {  	[tilespmem:s13+$0xFFFFFFC0] =	vst v0  }
0xf5: {  	v0 =	vld [tilespmem:$0x4020];
	_ =	sdelay $0x1  }
0xf6: {  	v1 =	vld [tilespmem:$0x4030];
	_ =	sdelay $0x2  }
0xf7: {  	v62 =	vand.u32 $0xFFFF, v0  }
0xf8: {  	v0 =	vshrl.u32 v0, $0x10  }
0xf9: {  	v63 =	vand.u32 $0xFFFF, v1  }
0xfa: {  	v1 =	vshrl.u32 v1, $0x10;
	_ =	sdelay $0x1  }
0xfb: {  	v2 =	vld.idx.msk [tilespmem:v62+s28+$0x0], $0xffff  }
0xfc: {  	v0 =	vld.idx.msk [tilespmem:v0+s28+$0x0], $0xffff  }
0xfd: {  	v3 =	vld.idx.msk [tilespmem:v63+s28+$0x0], $0xffff  }
0xfe: {  	v1 =	vld.idx.msk [tilespmem:v1+s28+$0x0], $0xffff;
	_ =	sdelay $0x1  }
0xff: {  	[tilespmem:$0x18080] =	vst v2  }
0x100: {  	s12 =	sand.u32 @!p0 $0x1FFFE000, s12;
	[tilespmem:$0x18090] =	vst v0  }
0x101: {  	s12 =	sadd.s32 @!p0 s6, s12;
	[tilespmem:$0x180A0] =	vst v3  }
0x102: {  	s14 =	simm.s32 @!p0 $0x0;
	s15 =	simm.s32 @!p0 $0xC040;
	s13 =	sadd.s32 @!p0 $0x3080, s12;
	[tilespmem:$0x180B0] =	vst v1  }
0x103: {  	[tilespmem:s15], [sflag:$0x2] =	stream.linear.gather @!p0 [hbm4b:s13+s14], $0x400, $0x38;
	[tilespmem:$0x180C0] =	vst v63  }
0x104: {  	s13 =	sadd.s32 @!p0 $0x3180, s12;
	s15 =	simm.s32 @!p0 $0xC440  }
0x105: {  	[tilespmem:s15], [sflag:$0x2] =	stream.linear.gather @!p0 [hbm4b:s13+s14], $0x400, $0x38;
	[tilespmem:$0x180C0] =	vst v63  }
0x106: {  	s13 =	sadd.s32 @!p0 $0x3280, s12;
	s15 =	simm.s32 @!p0 $0xC840  }
0x107: {  	[tilespmem:s15], [sflag:$0x2] =	stream.linear.gather @!p0 [hbm4b:s13+s14], $0x400, $0x38;
	[tilespmem:$0x180C0] =	vst v63  }
0x108: {  	s13 =	sadd.s32 @!p0 $0x3380, s12;
	s15 =	simm.s32 @!p0 $0xCC40  }
0x109: {  	[tilespmem:s15], [sflag:$0x2] =	stream.linear.gather @!p0 [hbm4b:s13+s14], $0x400, $0x38;
	[tilespmem:$0x180C0] =	vst v63  }
0x10a: {  	s13 =	sadd.s32 @!p0 $0x3480, s12;
	s15 =	simm.s32 @!p0 $0xD040  }
0x10b: {  	[tilespmem:s15], [sflag:$0x2] =	stream.linear.gather @!p0 [hbm4b:s13+s14], $0x400, $0x38;
	[tilespmem:$0x180C0] =	vst v63  }
0x10c: {  	s13 =	sadd.s32 @!p0 $0x3580, s12;
	s15 =	simm.s32 @!p0 $0xD440  }
0x10d: {  	[tilespmem:s15], [sflag:$0x2] =	stream.linear.gather @!p0 [hbm4b:s13+s14], $0x400, $0x38;
	[tilespmem:$0x180C0] =	vst v63  }
0x10e: {  	s13 =	sadd.s32 @!p0 $0x3680, s12;
	s15 =	simm.s32 @!p0 $0xD840  }
0x10f: {  	[tilespmem:s15], [sflag:$0x2] =	stream.linear.gather @!p0 [hbm4b:s13+s14], $0x400, $0x38;
	[tilespmem:$0x180C0] =	vst v63  }
0x110: {  	s13 =	sadd.s32 @!p0 $0x3780, s12;
	s15 =	simm.s32 @!p0 $0xDC40  }
0x111: {  	[tilespmem:s15], [sflag:$0x2] =	stream.linear.gather @!p0 [hbm4b:s13+s14], $0x400, $0x38;
	[tilespmem:$0x180C0] =	vst v63  }
0x112: {  	s13 =	sadd.s32 @!p0 $0x3880, s12;
	s15 =	simm.s32 @!p0 $0xE040  }
0x113: {  	[tilespmem:s15], [sflag:$0x2] =	stream.linear.gather @!p0 [hbm4b:s13+s14], $0x400, $0x38;
	[tilespmem:$0x180C0] =	vst v63  }
0x114: {  	s13 =	sadd.s32 @!p0 $0x3980, s12;
	s15 =	simm.s32 @!p0 $0xE440  }
0x115: {  	[tilespmem:s15], [sflag:$0x2] =	stream.linear.gather @!p0 [hbm4b:s13+s14], $0x400, $0x38;
	[tilespmem:$0x180C0] =	vst v63  }
0x116: {  	s13 =	sadd.s32 @!p0 $0x3A80, s12;
	s15 =	simm.s32 @!p0 $0xE840  }
0x117: {  	[tilespmem:s15], [sflag:$0x2] =	stream.linear.gather @!p0 [hbm4b:s13+s14], $0x400, $0x38;
	[tilespmem:$0x180C0] =	vst v63  }
0x118: {  	s13 =	sadd.s32 @!p0 $0x3B80, s12;
	s15 =	simm.s32 @!p0 $0xEC40  }
0x119: {  	[tilespmem:s15], [sflag:$0x2] =	stream.linear.gather @!p0 [hbm4b:s13+s14], $0x400, $0x38;
	[tilespmem:$0x180C0] =	vst v63  }
0x11a: {  	s13 =	sadd.s32 @!p0 $0x3C80, s12;
	s15 =	simm.s32 @!p0 $0xF040  }
0x11b: {  	[tilespmem:s15], [sflag:$0x2] =	stream.linear.gather @!p0 [hbm4b:s13+s14], $0x400, $0x38;
	[tilespmem:$0x180C0] =	vst v63  }
0x11c: {  	s13 =	sadd.s32 @!p0 $0x3D80, s12;
	s15 =	simm.s32 @!p0 $0xF440  }
0x11d: {  	[tilespmem:s15], [sflag:$0x2] =	stream.linear.gather @!p0 [hbm4b:s13+s14], $0x400, $0x38;
	[tilespmem:$0x180C0] =	vst v63  }
0x11e: {  	s13 =	sadd.s32 @!p0 $0x3E80, s12;
	s15 =	simm.s32 @!p0 $0xF840  }
0x11f: {  	[tilespmem:s15], [sflag:$0x2] =	stream.linear.gather @!p0 [hbm4b:s13+s14], $0x400, $0x38;
	[tilespmem:$0x180C0] =	vst v63  }
0x120: {  	s10 =	sadd.s32 $0x1, s10;
	s12 =	sadd.s32 @!p0 $0x3F80, s12;
	s13 =	simm.s32 @!p0 $0xFC40  }
0x121: {  	[tilespmem:s13], [sflag:$0x2] =	stream.linear.gather @!p0 [hbm4b:s12+s14], $0x400, $0x38;
	[tilespmem:$0x180C0] =	vst v63  }
0x122: {  	p0 =	sne.s32 s10, $0x20  }
.Ltmp2:
0x123: {  	_ = 	snop;
	(pc) =	sbr.rel @p0 .LBB2_2-.Ltmp2, $3  }
0x124: {  	_ =	sdelay $0x1  }
0x125: {  	s11 =	sadd.s32 $0xC08, s11  }
0x126: {  	[hbm4b:s11+s4] =	stream.linear.scatter [tilespmem:s30], [sflag:$0x4], $0x2040, $0x38;
	[tilespmem:$0x180C0] =	vst v63  }
0x127: {  	s9 =	sadd.s32 $0x1, s9  }
0x128: {  	_ =	swait.ge [sflag:s31], $0x6040;
	p0 =	sne.s32 s9, s25  }
.Ltmp3:
0x129: {  	[sflag:s31] =	ssyncset.done $0x0;
	(pc) =	sbr.rel @p0 .LBB2_1-.Ltmp3, $4  }
0x12a: {  	[sflag:s31] =	ssyncadd.s32 $0xFFFF9FC0  }
0x12b: {  	_ =	swait.ge [sflag:s8], $0x2040  }
0x12c: {  	[sflag:s8] =	ssyncset.done $0x0  }
0x12d: {  	[sflag:s8] =	ssyncadd.s32 $0xFFFFDFC0  }
0x12e: {  	_ =	sfence.sel $0x180000  }
0x12f: {  	[bflag:$0x0] =	sbarrier.arrive $0xFFFF  }
0x130: {  	_ =	strace $0x9000004A  }
0x131: {  	s0 =	stileid.u32;
	[bflag:$0x2] =	sbarrier.arrive $0xFFFF  }
0x132: {  	p0 =	sne.s32 s0, $0x0;
	s0 =	rddreg [dreg:$0x3]  }
0x133: {  	s0 =	sadd.s32 @!p0 $0x100000, s0  }
0x134: {  	[sflag:s0] =	ssyncadd.tile.s32 @!p0 $0x1;
	_ =	shalt  }
.Lfunc_end2:
_tile_overlayer_lowered:
.L_overlay_start_2:
0x135: {  	(tag) =	ssettag $0x2  }
0x136: {  	s0 =	rddreg [dreg:$0x0];
	s2 =	stileid.u32  }
0x137: {  	s1 =	rddreg [dreg:$0x1];
	p0 =	sne.s32 s2, $0x0  }
0x138: {  	s3 =	rddreg [dreg:$0x2];
	[bflag:$0x3] =	sbarrier.arrive $0xFFFF;
	s2 =	simm.s32 @!p0 $0x1C05  }
0x139: {  	[timem:s3], [sflag:s2] =	dma.local @!p0 [hbm:s0], s1  }
0x13a: {  	s0 =	simm.s32 @!p0 $0x5  }
0x13b: {  	_ =	swait.ge @!p0 [sflag:s0], s1  }
0x13c: {  	s1 =	ssub.s32 @!p0 $0x0, s1;
	[sflag:s0] =	ssyncset.done @!p0 $0x0  }
0x13d: {  	[sflag:s0] =	ssyncadd.s32 @!p0 s1  }
0x13e: {  	[bflag:$0x3] =	sbarrier.arrive $0xFFFF  }
0x13f: {  	_ =	shalt  }

// kernel: sparse-core-data-format-call.cloned.1.call-start
scs
called_computation_lowered:
.L_overlay_start_0:
0x0: {  	s2 =	sld [smem:$0x3FD9]  }
0x1: {  	s3 =	sld [smem:$0x3FFE];
	_ =	sdelay $0x1  }
0x2: {  	s1 =	srdreg.scid  }
0x3: {  	s0 =	sand.u32 $0x1, s1  }
0x4: {  	s18 =	sshll.u32 s0, $0xA;
	s2 =	sadd.s32 s3, s2  }
0x5: {  	s2 =	sadd.s32 s2, s18  }
0x6: {  	[smem:$0x3FC6] =	sst s2  }
0x7: {  	_ = 	snop  }
0x8: {  	s2 =	sld [smem:$0x3FC9];
	(tm) =	ssettm $0x1  }
0x9: {  	s19 =	sld [smem:$0x3FFB];
	_ =	sdelay $0x3  }
0xa: {  	_ =	strace s19  }
0xb: {  	s3 =	sld [smem:$0x3FFC];
	_ =	sdelay $0x3  }
0xc: {  	_ =	strace s3  }
0xd: {  	s3 =	sld [smem:$0x3FFD];
	_ =	sdelay $0x3  }
0xe: {  	_ =	strace s3  }
0xf: {  	_ =	strace $0x8FFFFFFF  }
0x10: {  	s20 =	sld [smem:$0x3FDB];
	_ =	sdelay $0x1  }
0x11: {  	s4 =	simm.s32 $_scs_section_size  }
0x12: {  	s5 =	simm.s32 $_size__tile_overlayer_lowered;
	s6 =	simm.s32 $_tile_overlayer_lowered  }
0x13: {  	s23 =	simm.s32 $0x1BFF;
	s22 =	sshll.u32 s6, $0x1;
	s3 =	sadd.s32 s4, s20  }
0x14: {  	s7 =	simm.s32 $0x0;
	s21 =	sshll.u32 s5, $0x1;
	s5 =	sadd.s32 s22, s3  }
0x15: {  	[timem:s7], [sflag:s23] =	dma.local [hbm:s5], s21  }
0x16: {  	_ =	swait.ge [sflag:s23], s21  }
0x17: {  	s4 =	ssub.s32 $0x0, s21;
	[sflag:s23] =	ssyncset.done $0x0  }
0x18: {  	[sflag:s23] =	ssyncadd.s32 s4;
	_ =	sdelay $0x1  }
0x19: {  	s24 =	simm.s32 $0x1B8B  }
0x1a: {  	_ =	swait.ge [sflag:s24], $0x1  }
0x1b: {  	[sflag:s24] =	ssyncset.done $0x0  }
0x1c: {  	s26 =	simm.s32 $0x1B8E;
	s25 =	sld [smem:$0x3FFE];
	[sflag:s24] =	ssyncadd.s32 $0xFFFFFFFF  }
0x1d: {  	s27 =	simm.s32 $execute0_lowered;
	[smem:$0x3FD2] =	sst s26  }
0x1e: {  	s5 =	sshll.u32 s27, $0x1;
	_ =	strace $0x80000046;
	[dreg:$0x1] =	wrdreg $0xFFFFFFFF  }
0x1f: {  	s28 =	simm.s32 $_size_execute0_lowered;
	s3 =	sadd.s32 s3, s5;
	[dreg:$0x0] =	wrdreg $0x0  }
0x20: {  	s5 =	sshll.u32 s28, $0x1;
	[dreg:$0x2] =	wrdreg s3  }
0x21: {  	[dreg:$0x3] =	wrdreg s5  }
0x22: {  	[dreg:$0x4] =	wrdreg $0xC0  }
0x23: {  	_ =	task [dreg:s7], $0x5FFFF  }
0x24: {  	[dreg:$0x1] =	wrdreg $0xFFFFFFFF  }
0x25: {  	[dreg:$0x0] =	wrdreg $0x60  }
0x26: {  	[dreg:$0x2] =	wrdreg s2  }
0x27: {  	[dreg:$0x3] =	wrdreg s25  }
0x28: {  	[dreg:$0x4] =	wrdreg $0x9  }
0x29: {  	_ =	task.clear_ibuf [dreg:s7], $0x5FFFF;
	_ =	strace $0x90000046  }
0x2a: {  	s29 =	simm.s32 $0x9;
	_ =	strace $0x80000048  }
0x2b: {  	_ =	swait.ge [sflag:s29], $0x1  }
0x2c: {  	[sflag:s29] =	ssyncadd.s32 $0xFFFFFFFF  }
0x2d: {  	_ =	strace $0x90000048  }
0x2e: {  	_ =	sfence  }
0x2f: {  	s30 =	sld [smem:$0x0];
	_ =	sdelay $0x2  }
0x30: {  	s31 =	sshll.u32 s1, $0xD;
	s1 =	sshrl.u32 s1, $0x2  }
0x31: {  	s3 =	sand.u32 $0x4000, s31;
	s1 =	sadd.s32 s1, s30  }
0x32: {  	s0 =	sor.u32 s3, s0;
	s1 =	sshll.u32 s1, $0x11  }
0x33: {  	s0 =	sor.u32 s1, s0  }
0x34: {  	s0 =	sadd.s32 $0x8F2B, s0  }
0x35: {  	[sflag:s0] =	ssyncadd.remote.s32 $0x1  }
0x36: {  	_ =	sfence.sel $0xFFFF  }
0x37: {  	[dreg:$0x0] =	wrdreg $0xFFFFFFFF;
	(pc) =	sbr.abs _section_cstart, $3  }
0x38: {  	[dreg:$0x1] =	wrdreg $0xFFFFFFFF  }
0x39: {  	_ =	task.clear_ibuf [dreg:s7], $0x2FFFF;
	_ =	strace $0x9FFFFFFF  }
0x3a: {  	(tm) =	ssettm $0x7FFFFFFF  }
0x3b: {  	_ =	shalt  }
tec
execute0_lowered:
.L_overlay_start_1:
0x0: {  	(tag) =	ssettag $0x1  }
0x1: {  	s2 =	rddreg [dreg:$0x0]  }
0x2: {  	s1 =	rddreg [dreg:$0x1]  }
0x3: {  	s0 =	rddreg [dreg:$0x2];
	_ =	strace $0x80000047;
	s4 =	srdreg.scid  }
0x4: {  	s6 =	simm.s32 $0x2;
	s11 =	simm.s32 $0x0;
	p0 =	por $0x0, $0x0  }
.Ltmp0:
0x5: {  	s7 =	simm.s32 $0x10000;
	s12 =	simm.s32 $0x0;
	(pc) =	sbr.rel .LBB1_1-.Ltmp0, $4  }
0x6: {  	s9 =	simm.s32 $0x0;
	s3 =	sadd.s32 $0x800, s1;
	s5 =	sshll.u32 s4, $0x4  }
0x7: {  	s1 =	stileid.u32;
	s4 =	simm.s32 $0x1;
	s5 =	sand.u32 $0x10, s5  }
0x8: {  	s8 =	simm.s32 $0x0;
	[sflag:s4] =	ssyncpa.u1 $0x0;
	s5 =	sor.u32 s1, s5  }
0x9: {  	[sflag:s6] =	ssyncpa.u1 $0x0;
	s6 =	simm.s32 $0x800;
	s10 =	smov.u32 s5  }
.LBB1_7:
0xa: {  	s13 =	sadd.s32 $0x10, s9  }
0xb: {  	s11 =	sadd.s32 $0x20, s10;
	s15 =	smov.u32 s10;
	p2 =	sgt.s32 s13, $0x1FF  }
0xc: {  	p1 =	slt.u32 s8, $0x2;
	s15 =	smov.u32 @p2 s11  }
0xd: {  	s8 =	sadd.s32 $0x1, s8;
	s13 =	simm.s32 @p2 $0x0;
	p2 =	sgt.s32 s15, $0x7F  }
0xe: {  	s15 =	smov.u32 @p2 s5;
	p2 =	sne.s32 s8, $0x82  }
.Ltmp1:
0xf: {  	_ = 	snop;
	(pc) =	sbr.rel @!p2 .LBB1_8-.Ltmp1, $4  }
0x10: {  	s14 =	simm.s32 @!p1 $0x2  }
0x11: {  	s12 =	smov.u32 s10;
	_ =	swait.ge @!p1 [sflag:s14], $0x4000  }
0x12: {  	p0 =	por !p0, !p0;
	s11 =	smov.u32 s9;
	[sflag:s14] =	ssyncset.done @!p1 $0x0  }
0x13: {  	s9 =	smov.u32 s13;
	[sflag:s14] =	ssyncadd.s32 @!p1 $0xFFFFC000;
	s10 =	smov.u32 s15  }
.LBB1_1:
0x14: {  	p1 =	sgt.u32 s8, $0x7F  }
0x15: {  	s13 =	sxor.u32 @!p1 $0xFFFFFFFF, s8;
	s14 =	sshll.u32 @!p1 s10, $0x10  }
0x16: {  	s15 =	sshll.u32 @!p1 s9, $0x7;
	s13 =	sshll.u32 @!p1 s13, $0xE;
	s14 =	sadd.s32 @!p1 s2, s14  }
0x17: {  	s13 =	sand.u32 @!p1 $0x4000, s13;
	s14 =	sadd.s32 @!p1 s15, s14;
	s15 =	simm.s32 @!p1 $0x0  }
0x18: {  	[tilespmem:s13], [sflag:$0x1] =	stream.linear.gather @!p1 [hbm4b:s14+s15], $0x4000, $0x38;
	[tilespmem:$0x10000] =	vst v63  }
0x19: {  	p1 =	seq.s32 s8, $0x0  }
0x1a: {  	p2 =	seq.s32 @!p1 s8, $0x81  }
0x1b: {  	p1 =	por p1, p2  }
.Ltmp2:
0x1c: {  	_ = 	snop;
	(pc) =	sbr.rel @p1 .LBB1_7-.Ltmp2, $1  }
0x1d: {  	_ =	sdelay $0x3  }
0x1e: {  	s13 =	simm.s32 $0x1;
	_ =	swait.ge [sflag:s4], $0x4000;
	s16 =	sshll.u32 s8, $0xE  }
0x1f: {  	s13 =	simm.s32 @!p0 $0x0;
	[sflag:s4] =	ssyncset.done $0x0;
	s31 =	sand.u32 $0x4000, s16  }
0x20: {  	s16 =	simm.s32 $0x0;
	s14 =	sshll.u32 s13, $0xE;
	[sflag:s4] =	ssyncadd.s32 $0xFFFFC000  }
0x21: {  	s13 =	sor.u32 $0x8040, s14;
	s15 =	sor.u32 $0x40, s14;
	s14 =	sor.u32 $0x8000, s31  }
.LBB1_3:
0x22: {  	v0 =	vmov s15;
	_ =	sdelay $0x3  }
0x23: {  	s18 =	simm.s32 $0x0  }
0x24: {  	v6 =	vld.idx.msk [tilespmem:v0+s18+$0x30 ss:$0x1], $0xffff  }
0x25: {  	v7 =	vld.idx.msk [tilespmem:v0+s18+$0xFFFFFFC0 ss:$0x1], $0xffff  }
0x26: {  	v5 =	vld.idx.msk [tilespmem:v0+s18+$0xFFFFFFD0 ss:$0x1], $0xffff  }
0x27: {  	v4 =	vld.idx.msk [tilespmem:v0+s18+$0xFFFFFFE0 ss:$0x1], $0xffff  }
0x28: {  	v3 =	vld.idx.msk [tilespmem:v0+s18+$0xFFFFFFF0 ss:$0x1], $0xffff  }
0x29: {  	v1 =	vld.idx.msk [tilespmem:v0+s18+$0x0 ss:$0x1], $0xffff  }
0x2a: {  	v2 =	vld.idx.msk [tilespmem:v0+s18+$0x10 ss:$0x1], $0xffff;
	[tilespmem:s13+$0x30] =	vst v6  }
0x2b: {  	s17 =	simm.s32 $0x80;
	s19 =	simm.s32 $0x400;
	[tilespmem:s13+$0xFFFFFFC0] =	vst v7;
	v6 =	vld.idx.msk [tilespmem:v0+s18+$0x20 ss:$0x1], $0xffff;
	s18 =	smov.u32 s13  }
.LBB1_4:
0x2c: {  	p1 =	sne.s32 s19, $0xE00;
	v7 =	vld.idx.msk [tilespmem:v0+s17+$0x30 ss:$0x1], $0xffff;
	[tilespmem:s18+$0xFFFFFFD0] =	vst v5  }
0x2d: {  	v8 =	vld.idx.msk [tilespmem:v0+s17+$0xFFFFFFC0 ss:$0x1], $0xffff;
	[tilespmem:s18+$0xFFFFFFE0] =	vst v4  }
0x2e: {  	v5 =	vld.idx.msk [tilespmem:v0+s17+$0xFFFFFFD0 ss:$0x1], $0xffff;
	[tilespmem:s18+$0xFFFFFFF0] =	vst v3  }
.Ltmp3:
0x2f: {  	v4 =	vld.idx.msk [tilespmem:v0+s17+$0xFFFFFFE0 ss:$0x1], $0xffff;
	[tilespmem:s18+$0x0] =	vst v1;
	(pc) =	sbr.rel @p1 .LBB1_4-.Ltmp3, $4  }
0x30: {  	v3 =	vld.idx.msk [tilespmem:v0+s17+$0xFFFFFFF0 ss:$0x1], $0xffff;
	[tilespmem:s18+$0x10] =	vst v2  }
0x31: {  	v1 =	vld.idx.msk [tilespmem:v0+s17+$0x0 ss:$0x1], $0xffff;
	[tilespmem:s18+$0x20] =	vst v6;
	s18 =	sadd.s32 $0x800, s18  }
0x32: {  	v2 =	vld.idx.msk [tilespmem:v0+s17+$0x10 ss:$0x1], $0xffff;
	[tilespmem:s18+$0x30] =	vst v7  }
0x33: {  	[tilespmem:s18+$0xFFFFFFC0] =	vst v8;
	v6 =	vld.idx.msk [tilespmem:v0+s17+$0x20 ss:$0x1], $0xffff;
	s17 =	sshra.s32 s19, $0x2;
	s19 =	sadd.s32 $0x200, s19  }
0x34: {  	_ =	sdelay $0x2  }
0x35: {  	[tilespmem:s18+$0xFFFFFFD0] =	vst v5  }
0x36: {  	v56 =	vld.idx.msk [tilespmem:v0+s17+$0x30 ss:$0x1], $0xffff;
	[tilespmem:s18+$0xFFFFFFE0] =	vst v4  }
0x37: {  	v57 =	vld.idx.msk [tilespmem:v0+s17+$0xFFFFFFC0 ss:$0x1], $0xffff;
	[tilespmem:s18+$0xFFFFFFF0] =	vst v3  }
0x38: {  	v58 =	vld.idx.msk [tilespmem:v0+s17+$0xFFFFFFD0 ss:$0x1], $0xffff;
	[tilespmem:s18+$0x0] =	vst v1  }
0x39: {  	v59 =	vld.idx.msk [tilespmem:v0+s17+$0xFFFFFFE0 ss:$0x1], $0xffff;
	[tilespmem:s18+$0x10] =	vst v2  }
0x3a: {  	v60 =	vld.idx.msk [tilespmem:v0+s17+$0xFFFFFFF0 ss:$0x1], $0xffff;
	s31 =	sadd.s32 $0x800, s18;
	[tilespmem:s18+$0x20] =	vst v6  }
0x3b: {  	v61 =	vld.idx.msk [tilespmem:v0+s17+$0x0 ss:$0x1], $0xffff;
	[tilespmem:s31+$0x30] =	vst v56  }
0x3c: {  	v62 =	vld.idx.msk [tilespmem:v0+s17+$0x10 ss:$0x1], $0xffff;
	s16 =	sadd.s32 $0x1, s16;
	[tilespmem:s31+$0xFFFFFFC0] =	vst v57  }
0x3d: {  	v63 =	vld.idx.msk [tilespmem:v0+s17+$0x20 ss:$0x1], $0xffff;
	p1 =	sne.s32 s16, $0x10;
	[tilespmem:s31+$0xFFFFFFD0] =	vst v58  }
.Ltmp4:
0x3e: {  	[tilespmem:s31+$0xFFFFFFE0] =	vst v59;
	(pc) =	sbr.rel @p1 .LBB1_3-.Ltmp4, $4  }
0x3f: {  	[tilespmem:s31+$0xFFFFFFF0] =	vst v60  }
0x40: {  	[tilespmem:s31+$0x0] =	vst v61  }
0x41: {  	[tilespmem:s31+$0x10] =	vst v62  }
0x42: {  	s13 =	sadd.s32 $0x80, s13;
	s15 =	sadd.s32 $0x400, s15;
	[tilespmem:s31+$0x20] =	vst v63  }
.Ltmp5:
0x43: {  	(pc) =	sbr.rel .LBB1_7-.Ltmp5, $4  }
0x44: {  	s12 =	sshll.u32 s12, $0x10;
	s11 =	sshll.u32 s11, $0x4  }
0x45: {  	s11 =	sand.u32 $0x1FF0, s11;
	s12 =	sadd.s32 s3, s12  }
0x46: {  	s11 =	sadd.s32 s11, s12  }
0x47: {  	[hbm4b:s11+s6] =	stream.strided.scatter [tilespmem:s14], [sflag:$0x2], $0x4000, s7, s6, $0x38;
	[tilespmem:$0x10000] =	vst v63  }
.LBB1_8:
0x48: {  	_ =	sfence.sel $0x180000  }
0x49: {  	s2 =	simm.s32 $0x1;
	[bflag:$0x0] =	sbarrier.arrive $0xFFFF  }
0x4a: {  	s31 =	simm.s32 $0x2;
	[sflag:s2] =	ssyncpa.u1 $0x1  }
0x4b: {  	[sflag:s31] =	ssyncpa.u1 $0x1  }
0x4c: {  	p0 =	sne.s32 s1, $0x0;
	_ =	strace $0x90000047  }
0x4d: {  	s0 =	sadd.s32 @!p0 $0x100000, s0;
	[bflag:$0x2] =	sbarrier.arrive $0xFFFF  }
0x4e: {  	[sflag:s0] =	ssyncadd.tile.s32 @!p0 $0x1;
	_ =	shalt  }
.Lfunc_end1:
_tile_overlayer_lowered:
.L_overlay_start_2:
0x4f: {  	(tag) =	ssettag $0x2  }
0x50: {  	s0 =	rddreg [dreg:$0x0];
	s2 =	stileid.u32  }
0x51: {  	s1 =	rddreg [dreg:$0x1];
	p0 =	sne.s32 s2, $0x0  }
0x52: {  	s3 =	rddreg [dreg:$0x2];
	[bflag:$0x3] =	sbarrier.arrive $0xFFFF;
	s2 =	simm.s32 @!p0 $0x1C01  }
0x53: {  	[timem:s3], [sflag:s2] =	dma.local @!p0 [hbm:s0], s1  }
0x54: {  	s0 =	simm.s32 @!p0 $0x1  }
0x55: {  	_ =	swait.ge @!p0 [sflag:s0], s1  }
0x56: {  	s1 =	ssub.s32 @!p0 $0x0, s1;
	[sflag:s0] =	ssyncset.done @!p0 $0x0  }
0x57: {  	[sflag:s0] =	ssyncadd.s32 @!p0 s1  }
0x58: {  	[bflag:$0x3] =	sbarrier.arrive $0xFFFF  }
0x59: {  	_ =	shalt  }

</sc_bundles>
